<compile_context>
chip_gen: v7x
topology: tpu7x:2x2x1
jax: 0.10.2.dev20260603
libtpu: 0.0.44.dev20260713+nightly
codegen_flags: <defaults>
</compile_context>

<pallas_src>
import jax
import jax.numpy as jnp
from jax import lax
from jax.experimental import pallas as pl
from jax.experimental.pallas import tpu as pltpu
from jax.experimental.pallas import tpu_sc as plsc

B = 16384
F = 26
V = 100000
D = 32

NC, NS, L = 2, 16, 16
NW = NC * NS


CHB = 4096
NCHB = B // CHB


def _kernel_body(idx_hbm, tab_hbm, out_hbm, row_v, idx_l, sidx,
                 out0, out1, rsem, ssem, lsem, osem0, osem1):
    c = lax.axis_index("c")
    s = lax.axis_index("s")
    d = s * NC + c
    out_v = (out0, out1)
    osem = (osem0, osem1)

    @pl.when(s == 0)
    def _():
        pltpu.async_copy(idx_hbm.at[pl.ds(0, B)], sidx.at[0], ssem)

    def field(f, _):
        @pl.when(s == 0)
        def _():
            pltpu.make_async_copy(idx_hbm.at[pl.ds(0, B)], sidx.at[0], ssem).wait()
        plsc.subcore_barrier()

        @pl.when((s == 0) & (f + 1 < F))
        def _():
            pltpu.async_copy(idx_hbm.at[pl.ds((f + 1) * B, B)],
                             sidx.at[lax.rem(f + 1, 2)], ssem)

        pltpu.async_copy(sidx.at[lax.rem(f, 2)], idx_l, lsem)
        pltpu.async_copy(tab_hbm.at[f, d], row_v, rsem)
        pltpu.make_async_copy(sidx.at[0], idx_l, lsem).wait()
        pltpu.make_async_copy(tab_hbm.at[f, d], row_v, rsem).wait()

        for h in range(NCHB):
            p = h % 2
            if h >= 2:
                pltpu.make_async_copy(out_v[p], out_hbm.at[0, 0, pl.ds(0, CHB)],
                                      osem[p]).wait()
            else:
                @pl.when(f > 0)
                def _():
                    pltpu.make_async_copy(out_v[p], out_hbm.at[0, 0, pl.ds(0, CHB)],
                                          osem[p]).wait()

            GRP = 8

            def chunk(i, _):
                base = i * (GRP * L)
                ids = [idx_l[pl.ds(h * CHB + base + k * L, L)] for k in range(GRP)]
                gs = [plsc.load_gather(row_v, [ids[k]]) for k in range(GRP)]
                for k in range(GRP):
                    out_v[p][pl.ds(base + k * L, L)] = gs[k]
                return 0

            lax.fori_loop(0, CHB // (GRP * L), chunk, 0, unroll=2)
            pltpu.async_copy(out_v[p], out_hbm.at[f, d, pl.ds(h * CHB, CHB)], osem[p])
        return 0

    lax.fori_loop(0, F, field, 0, unroll=False)
    for p in range(2):
        pltpu.make_async_copy(out_v[p], out_hbm.at[0, 0, pl.ds(0, CHB)], osem[p]).wait()


@jax.jit
def _embed(idx_t, tab_t):
    mesh = plsc.VectorSubcoreMesh(
        core_axis_name="c", subcore_axis_name="s", num_cores=NC, num_subcores=NS
    )
    scratch = (
        [pltpu.VMEM((V,), jnp.float32),
         pltpu.VMEM((B,), jnp.int32),
         pltpu.VMEM_SHARED((2, B), jnp.int32)]
        + [pltpu.VMEM((CHB,), jnp.float32) for _ in range(2)]
        + [pltpu.SemaphoreType.DMA for _ in range(5)]
    )
    return pl.kernel(
        _kernel_body,
        out_type=jax.ShapeDtypeStruct((F, D, B), jnp.float32),
        mesh=mesh,
        scratch_types=scratch,
        compiler_params=pltpu.CompilerParams(
            use_tc_tiling_on_sc=True, needs_layout_passes=False
        ),
    )(idx_t, tab_t)


def kernel(input, tables):
    idx_f = input.astype(jnp.int32).T.reshape(F * B)
    tab_t = jnp.transpose(tables, (0, 2, 1))
    out_t = _embed(idx_f, tab_t)
    return jnp.transpose(out_t, (2, 0, 1))

# --- scband reference (transcript-rebuilt; emitter-appended) ---
"""Pipeline reference for scband-single-table-embedder-22531398435365 (READ-ONLY COPY).

The authoritative reference and input builder live on the scoring server;
editing this copy changes nothing except your own understanding.
"""

import jax, jax.numpy as jnp
import numpy as np

BATCH = 16384
NUM_FIELDS = 26
VOCAB = 100000
EMBED_DIM = 32

def setup_inputs(seed: int = 0) -> dict:
    key = jax.random.key(seed)
    k1, k2 = jax.random.split(key)
    # forward arg: int categorical ids per field, shape [B, F]
    inp = jax.random.randint(k1, (BATCH, NUM_FIELDS), 0, VOCAB, dtype=jnp.int64)
    # learned params: one embedding table per column (per-column embedders)
    tables = jax.random.normal(k2, (NUM_FIELDS, VOCAB, EMBED_DIM), dtype=jnp.float32) * 0.02
    return {"input": inp, "tables": tables}

def reference(input, tables):
    # SingleTableEmbedder.forward: for each column i, select input[..., i],
    # embed with embedder i (its own table), then concat along dim=-2.
    # Each embedded column has shape [B, 1, D]; concat -> [B, F, D].
    cols = input.T  # [F, B]
    # per-column gather: tables[i][cols[i]] -> [F, B, D]
    gathered = jax.vmap(lambda tbl, idx: jnp.take(tbl, idx, axis=0))(tables, cols)
    out = jnp.transpose(gathered, (1, 0, 2))  # [B, F, D]
    return out

if __name__ == "__main__":
    import jax
    _d = setup_inputs()
    print(jax.jit(kernel)(*tuple(_d.values())))

</pallas_src>

<mosaic_0001>
#map = affine_map<(d0, d1) -> (0)>
#map1 = affine_map<(d0, d1) -> (0, 0, 0)>
module attributes {stable_mosaic.version = 14 : i64} {
  func.func @_kernel_body(%arg0: i32, %arg1: i32, %arg2: memref<425984xi32, #tpu.memory_space<hbm>>, %arg3: memref<26x32x100000xf32, #tpu.memory_space<hbm>>, %arg4: memref<26x32x16384xf32, #tpu.memory_space<hbm>>, %arg5: memref<100000xf32, #tpu.memory_space<vmem>>, %arg6: memref<16384xi32, #tpu.memory_space<vmem>>, %arg7: memref<2x16384xi32, #tpu.memory_space<vmem_shared>>, %arg8: memref<4096xf32, #tpu.memory_space<vmem>>, %arg9: memref<4096xf32, #tpu.memory_space<vmem>>, %arg10: memref<!tpu.dma_semaphore, #tpu.memory_space<semaphore_mem>>, %arg11: memref<!tpu.dma_semaphore, #tpu.memory_space<semaphore_mem>>, %arg12: memref<!tpu.dma_semaphore, #tpu.memory_space<semaphore_mem>>, %arg13: memref<!tpu.dma_semaphore, #tpu.memory_space<semaphore_mem>>, %arg14: memref<!tpu.dma_semaphore, #tpu.memory_space<semaphore_mem>>) attributes {dimension_semantics = [#tpu.dimension_semantics<core_parallel>, #tpu.dimension_semantics<subcore_parallel>], iteration_bounds = array<i64: 2, 16>, scalar_prefetch = 0 : i64, scratch_operands = 10 : i64, tpu.core_type = #tpu.core_type<sc_vector_subcore>, window_params = [{transform_indices = #map}, {transform_indices = #map1}, {transform_indices = #map1}]} {
    %mul3A = arith.constant 2 : i32
    %mul3A_0 = arith.muli %arg1, %mul3A : i32
    %add3A = arith.addi %mul3A_0, %arg0 : i32
    %eq3A = arith.constant 0 : i32
    %eq3A_1 = arith.cmpi eq, %arg1, %eq3A : i32
    %convert_element_type3A = arith.extui %eq3A_1 : i1 to i32
    %cond3A = arith.constant 0 : i32
    %cond3A_2 = arith.cmpi ne, %convert_element_type3A, %cond3A : i32
    scf.if %cond3A_2 {
      %dma_start3A = arith.constant 0 : i32
      %dma_start3A_24 = arith.constant 0 : i32
      %dma_start3A_25 = tpu.memref_slice %arg7[%dma_start3A, %dma_start3A_24] : memref<2x16384xi32, #tpu.memory_space<vmem_shared>> -> memref<1x16384xi32, #tpu.memory_space<vmem_shared>>
      %dma_start3A_26 = tpu.memref_squeeze %dma_start3A_25 : memref<1x16384xi32, #tpu.memory_space<vmem_shared>> -> memref<16384xi32, #tpu.memory_space<vmem_shared>>
      %dma_start3A_27 = arith.constant 0 : i32
      %dma_start3A_28 = tpu.memref_slice %arg2[%dma_start3A_27] : memref<425984xi32, #tpu.memory_space<hbm>> -> memref<16384xi32, #tpu.memory_space<hbm>>
      tpu.enqueue_dma source(%dma_start3A_28 : memref<16384xi32, #tpu.memory_space<hbm>>) target(%dma_start3A_26 : memref<16384xi32, #tpu.memory_space<vmem_shared>>) target_semaphore(%arg11 : memref<!tpu.dma_semaphore, #tpu.memory_space<semaphore_mem>>)
    } else {
    }
    %scan3A = arith.constant 0 : i32
    %scan3A_3 = arith.constant 0 : i32
    %scan3A_4 = arith.constant 26 : i32
    %scan3A_5 = arith.addi %scan3A_3, %scan3A_4 : i32
    %scan3A_6 = arith.constant 1 : i32
    %scan3A_7 = scf.for %scan3A_24 = %scan3A_3 to %scan3A_5 step %scan3A_6 iter_args(%scan3A_25 = %scan3A) -> (i32)  : i32 {
      %eq3A_26 = arith.constant 0 : i32
      %eq3A_27 = arith.cmpi eq, %arg1, %eq3A_26 : i32
      %convert_element_type3A_28 = arith.extui %eq3A_27 : i1 to i32
      %cond3A_29 = arith.constant 0 : i32
      %cond3A_30 = arith.cmpi ne, %convert_element_type3A_28, %cond3A_29 : i32
      scf.if %cond3A_30 {
        %dma_wait3A_142 = arith.constant 0 : i32
        %dma_wait3A_143 = arith.constant 0 : i32
        %dma_wait3A_144 = tpu.memref_slice %arg7[%dma_wait3A_142, %dma_wait3A_143] : memref<2x16384xi32, #tpu.memory_space<vmem_shared>> -> memref<1x16384xi32, #tpu.memory_space<vmem_shared>>
        %dma_wait3A_145 = tpu.memref_squeeze %dma_wait3A_144 : memref<1x16384xi32, #tpu.memory_space<vmem_shared>> -> memref<16384xi32, #tpu.memory_space<vmem_shared>>
        %dma_wait3A_146 = arith.constant 0 : i32
        %dma_wait3A_147 = tpu.memref_slice %arg2[%dma_wait3A_146] : memref<425984xi32, #tpu.memory_space<hbm>> -> memref<16384xi32, #tpu.memory_space<hbm>>
        tpu.wait_dma2 semaphore(%arg11 : memref<!tpu.dma_semaphore, #tpu.memory_space<semaphore_mem>>) src(%dma_wait3A_147 : memref<16384xi32, #tpu.memory_space<hbm>>) dst(%dma_wait3A_145 : memref<16384xi32, #tpu.memory_space<vmem_shared>>)
      } else {
      }
      %barrier3A = arith.constant 0 : index
      tpu.barrier barrier_id(%barrier3A)
      %eq3A_31 = arith.constant 0 : i32
      %eq3A_32 = arith.cmpi eq, %arg1, %eq3A_31 : i32
      %add3A_33 = arith.constant 1 : i32
      %add3A_34 = arith.addi %scan3A_24, %add3A_33 : i32
      %lt3A = arith.constant 26 : i32
      %lt3A_35 = arith.cmpi slt, %add3A_34, %lt3A : i32
      %and3A = arith.andi %eq3A_32, %lt3A_35 : i1
      %convert_element_type3A_36 = arith.extui %and3A : i1 to i32
      %cond3A_37 = arith.constant 0 : i32
      %cond3A_38 = arith.cmpi ne, %convert_element_type3A_36, %cond3A_37 : i32
      scf.if %cond3A_38 {
        %add3A_142 = arith.constant 1 : i32
        %add3A_143 = arith.addi %scan3A_24, %add3A_142 : i32
        %mul3A_144 = arith.constant 16384 : i32
        %mul3A_145 = arith.muli %add3A_143, %mul3A_144 : i32
        %add3A_146 = arith.constant 1 : i32
        %add3A_147 = arith.addi %scan3A_24, %add3A_146 : i32
        %rem3A_148 = arith.constant 2 : i32
        %rem3A_149 = arith.remsi %add3A_147, %rem3A_148 : i32
        %dma_start3A_150 = arith.constant 0 : i32
        %dma_start3A_151 = tpu.memref_slice %arg7[%rem3A_149, %dma_start3A_150] : memref<2x16384xi32, #tpu.memory_space<vmem_shared>> -> memref<1x16384xi32, #tpu.memory_space<vmem_shared>>
        %dma_start3A_152 = tpu.memref_squeeze %dma_start3A_151 : memref<1x16384xi32, #tpu.memory_space<vmem_shared>> -> memref<16384xi32, #tpu.memory_space<vmem_shared>>
        %dma_start3A_153 = tpu.memref_slice %arg2[%mul3A_145] : memref<425984xi32, #tpu.memory_space<hbm>> -> memref<16384xi32, #tpu.memory_space<hbm>>
        tpu.enqueue_dma source(%dma_start3A_153 : memref<16384xi32, #tpu.memory_space<hbm>>) target(%dma_start3A_152 : memref<16384xi32, #tpu.memory_space<vmem_shared>>) target_semaphore(%arg11 : memref<!tpu.dma_semaphore, #tpu.memory_space<semaphore_mem>>)
      } else {
      }
      %rem3A = arith.constant 2 : i32
      %rem3A_39 = arith.remsi %scan3A_24, %rem3A : i32
      %dma_start3A = arith.constant 0 : i32
      %dma_start3A_40 = tpu.memref_slice %arg7[%rem3A_39, %dma_start3A] : memref<2x16384xi32, #tpu.memory_space<vmem_shared>> -> memref<1x16384xi32, #tpu.memory_space<vmem_shared>>
      %dma_start3A_41 = tpu.memref_squeeze %dma_start3A_40 : memref<1x16384xi32, #tpu.memory_space<vmem_shared>> -> memref<16384xi32, #tpu.memory_space<vmem_shared>>
      %dma_start3A_42 = arith.constant 0 : i32
      %dma_start3A_43 = tpu.memref_slice %arg7[%rem3A_39, %dma_start3A_42] : memref<2x16384xi32, #tpu.memory_space<vmem_shared>> -> memref<1x16384xi32, #tpu.memory_space<vmem_shared>>
      %dma_start3A_44 = tpu.memref_squeeze %dma_start3A_43 : memref<1x16384xi32, #tpu.memory_space<vmem_shared>> -> memref<16384xi32, #tpu.memory_space<vmem_shared>>
      tpu.enqueue_dma source(%dma_start3A_44 : memref<16384xi32, #tpu.memory_space<vmem_shared>>) target(%arg6 : memref<16384xi32, #tpu.memory_space<vmem>>) target_semaphore(%arg12 : memref<!tpu.dma_semaphore, #tpu.memory_space<semaphore_mem>>)
      %dma_start3A_45 = arith.constant 0 : i32
      %dma_start3A_46 = tpu.memref_slice %arg3[%scan3A_24, %add3A, %dma_start3A_45] : memref<26x32x100000xf32, #tpu.memory_space<hbm>> -> memref<1x1x100000xf32, #tpu.memory_space<hbm>>
      %dma_start3A_47 = tpu.memref_squeeze %dma_start3A_46 : memref<1x1x100000xf32, #tpu.memory_space<hbm>> -> memref<100000xf32, #tpu.memory_space<hbm>>
      %dma_start3A_48 = arith.constant 0 : i32
      %dma_start3A_49 = tpu.memref_slice %arg3[%scan3A_24, %add3A, %dma_start3A_48] : memref<26x32x100000xf32, #tpu.memory_space<hbm>> -> memref<1x1x100000xf32, #tpu.memory_space<hbm>>
      %dma_start3A_50 = tpu.memref_squeeze %dma_start3A_49 : memref<1x1x100000xf32, #tpu.memory_space<hbm>> -> memref<100000xf32, #tpu.memory_space<hbm>>
      tpu.enqueue_dma source(%dma_start3A_50 : memref<100000xf32, #tpu.memory_space<hbm>>) target(%arg5 : memref<100000xf32, #tpu.memory_space<vmem>>) target_semaphore(%arg10 : memref<!tpu.dma_semaphore, #tpu.memory_space<semaphore_mem>>)
      %dma_wait3A_51 = arith.constant 0 : i32
      %dma_wait3A_52 = arith.constant 0 : i32
      %dma_wait3A_53 = tpu.memref_slice %arg7[%dma_wait3A_51, %dma_wait3A_52] : memref<2x16384xi32, #tpu.memory_space<vmem_shared>> -> memref<1x16384xi32, #tpu.memory_space<vmem_shared>>
      %dma_wait3A_54 = tpu.memref_squeeze %dma_wait3A_53 : memref<1x16384xi32, #tpu.memory_space<vmem_shared>> -> memref<16384xi32, #tpu.memory_space<vmem_shared>>
      %dma_wait3A_55 = arith.constant 0 : i32
      %dma_wait3A_56 = tpu.memref_slice %arg7[%dma_wait3A_51, %dma_wait3A_55] : memref<2x16384xi32, #tpu.memory_space<vmem_shared>> -> memref<1x16384xi32, #tpu.memory_space<vmem_shared>>
      %dma_wait3A_57 = tpu.memref_squeeze %dma_wait3A_56 : memref<1x16384xi32, #tpu.memory_space<vmem_shared>> -> memref<16384xi32, #tpu.memory_space<vmem_shared>>
      tpu.wait_dma2 semaphore(%arg12 : memref<!tpu.dma_semaphore, #tpu.memory_space<semaphore_mem>>) src(%dma_wait3A_57 : memref<16384xi32, #tpu.memory_space<vmem_shared>>) dst(%arg6 : memref<16384xi32, #tpu.memory_space<vmem>>)
      %dma_wait3A_58 = arith.constant 0 : i32
      %dma_wait3A_59 = tpu.memref_slice %arg3[%scan3A_24, %add3A, %dma_wait3A_58] : memref<26x32x100000xf32, #tpu.memory_space<hbm>> -> memref<1x1x100000xf32, #tpu.memory_space<hbm>>
      %dma_wait3A_60 = tpu.memref_squeeze %dma_wait3A_59 : memref<1x1x100000xf32, #tpu.memory_space<hbm>> -> memref<100000xf32, #tpu.memory_space<hbm>>
      %dma_wait3A_61 = arith.constant 0 : i32
      %dma_wait3A_62 = tpu.memref_slice %arg3[%scan3A_24, %add3A, %dma_wait3A_61] : memref<26x32x100000xf32, #tpu.memory_space<hbm>> -> memref<1x1x100000xf32, #tpu.memory_space<hbm>>
      %dma_wait3A_63 = tpu.memref_squeeze %dma_wait3A_62 : memref<1x1x100000xf32, #tpu.memory_space<hbm>> -> memref<100000xf32, #tpu.memory_space<hbm>>
      tpu.wait_dma2 semaphore(%arg10 : memref<!tpu.dma_semaphore, #tpu.memory_space<semaphore_mem>>) src(%dma_wait3A_63 : memref<100000xf32, #tpu.memory_space<hbm>>) dst(%arg5 : memref<100000xf32, #tpu.memory_space<vmem>>)
      %gt3A = arith.constant 0 : i32
      %gt3A_64 = arith.cmpi sgt, %scan3A_24, %gt3A : i32
      %convert_element_type3A_65 = arith.extui %gt3A_64 : i1 to i32
      %cond3A_66 = arith.constant 0 : i32
      %cond3A_67 = arith.cmpi ne, %convert_element_type3A_65, %cond3A_66 : i32
      scf.if %cond3A_67 {
        %dma_wait3A_142 = arith.constant 0 : i32
        %dma_wait3A_143 = arith.constant 0 : i32
        %dma_wait3A_144 = arith.constant 0 : i32
        %dma_wait3A_145 = tpu.memref_slice %arg4[%dma_wait3A_142, %dma_wait3A_143, %dma_wait3A_144] : memref<26x32x16384xf32, #tpu.memory_space<hbm>> -> memref<1x1x4096xf32, #tpu.memory_space<hbm>>
        %dma_wait3A_146 = tpu.memref_squeeze %dma_wait3A_145 : memref<1x1x4096xf32, #tpu.memory_space<hbm>> -> memref<4096xf32, #tpu.memory_space<hbm>>
        %dma_wait3A_147 = arith.constant 0 : i32
        %dma_wait3A_148 = tpu.memref_slice %arg4[%dma_wait3A_142, %dma_wait3A_143, %dma_wait3A_147] : memref<26x32x16384xf32, #tpu.memory_space<hbm>> -> memref<1x1x4096xf32, #tpu.memory_space<hbm>>
        %dma_wait3A_149 = tpu.memref_squeeze %dma_wait3A_148 : memref<1x1x4096xf32, #tpu.memory_space<hbm>> -> memref<4096xf32, #tpu.memory_space<hbm>>
        tpu.wait_dma2 semaphore(%arg13 : memref<!tpu.dma_semaphore, #tpu.memory_space<semaphore_mem>>) src(%arg8 : memref<4096xf32, #tpu.memory_space<vmem>>) dst(%dma_wait3A_149 : memref<4096xf32, #tpu.memory_space<hbm>>)
      } else {
      }
      %scan3A_68 = arith.constant 0 : i32
      %scan3A_69 = arith.constant 0 : i32
      %scan3A_70 = arith.constant 32 : i32
      %scan3A_71 = arith.addi %scan3A_69, %scan3A_70 : i32
      %scan3A_72 = arith.constant 2 : i32
      %scan3A_73 = scf.for %scan3A_142 = %scan3A_69 to %scan3A_71 step %scan3A_72 iter_args(%scan3A_143 = %scan3A_68) -> (i32)  : i32 {
        %mul3A_144 = arith.constant 128 : i32
        %mul3A_145 = arith.muli %scan3A_142, %mul3A_144 : i32
        %add3A_146 = arith.constant 0 : i32
        %add3A_147 = arith.addi %add3A_146, %mul3A_145 : i32
        %add3A_148 = arith.constant 0 : i32
        %add3A_149 = arith.addi %add3A_147, %add3A_148 : i32
        %get3A = arith.index_cast %add3A_149 : i32 to index
        %get3A_150 = tpu.vector_load %arg6[%get3A] {strides = array<i32>} : memref<16384xi32, #tpu.memory_space<vmem>>, vector<16xi32>,
        %add3A_151 = arith.constant 0 : i32
        %add3A_152 = arith.addi %add3A_151, %mul3A_145 : i32
        %add3A_153 = arith.constant 16 : i32
        %add3A_154 = arith.addi %add3A_152, %add3A_153 : i32
        %get3A_155 = arith.index_cast %add3A_154 : i32 to index
        %get3A_156 = tpu.vector_load %arg6[%get3A_155] {strides = array<i32>} : memref<16384xi32, #tpu.memory_space<vmem>>, vector<16xi32>,
        %add3A_157 = arith.constant 0 : i32
        %add3A_158 = arith.addi %add3A_157, %mul3A_145 : i32
        %add3A_159 = arith.constant 32 : i32
        %add3A_160 = arith.addi %add3A_158, %add3A_159 : i32
        %get3A_161 = arith.index_cast %add3A_160 : i32 to index
        %get3A_162 = tpu.vector_load %arg6[%get3A_161] {strides = array<i32>} : memref<16384xi32, #tpu.memory_space<vmem>>, vector<16xi32>,
        %add3A_163 = arith.constant 0 : i32
        %add3A_164 = arith.addi %add3A_163, %mul3A_145 : i32
        %add3A_165 = arith.constant 48 : i32
        %add3A_166 = arith.addi %add3A_164, %add3A_165 : i32
        %get3A_167 = arith.index_cast %add3A_166 : i32 to index
        %get3A_168 = tpu.vector_load %arg6[%get3A_167] {strides = array<i32>} : memref<16384xi32, #tpu.memory_space<vmem>>, vector<16xi32>,
        %add3A_169 = arith.constant 0 : i32
        %add3A_170 = arith.addi %add3A_169, %mul3A_145 : i32
        %add3A_171 = arith.constant 64 : i32
        %add3A_172 = arith.addi %add3A_170, %add3A_171 : i32
        %get3A_173 = arith.index_cast %add3A_172 : i32 to index
        %get3A_174 = tpu.vector_load %arg6[%get3A_173] {strides = array<i32>} : memref<16384xi32, #tpu.memory_space<vmem>>, vector<16xi32>,
        %add3A_175 = arith.constant 0 : i32
        %add3A_176 = arith.addi %add3A_175, %mul3A_145 : i32
        %add3A_177 = arith.constant 80 : i32
        %add3A_178 = arith.addi %add3A_176, %add3A_177 : i32
        %get3A_179 = arith.index_cast %add3A_178 : i32 to index
        %get3A_180 = tpu.vector_load %arg6[%get3A_179] {strides = array<i32>} : memref<16384xi32, #tpu.memory_space<vmem>>, vector<16xi32>,
        %add3A_181 = arith.constant 0 : i32
        %add3A_182 = arith.addi %add3A_181, %mul3A_145 : i32
        %add3A_183 = arith.constant 96 : i32
        %add3A_184 = arith.addi %add3A_182, %add3A_183 : i32
        %get3A_185 = arith.index_cast %add3A_184 : i32 to index
        %get3A_186 = tpu.vector_load %arg6[%get3A_185] {strides = array<i32>} : memref<16384xi32, #tpu.memory_space<vmem>>, vector<16xi32>,
        %add3A_187 = arith.constant 0 : i32
        %add3A_188 = arith.addi %add3A_187, %mul3A_145 : i32
        %add3A_189 = arith.constant 112 : i32
        %add3A_190 = arith.addi %add3A_188, %add3A_189 : i32
        %get3A_191 = arith.index_cast %add3A_190 : i32 to index
        %get3A_192 = tpu.vector_load %arg6[%get3A_191] {strides = array<i32>} : memref<16384xi32, #tpu.memory_space<vmem>>, vector<16xi32>,
        %gather3A = tpu.vector_load_idx %arg5[%get3A_150] : memref<100000xf32, #tpu.memory_space<vmem>>[vector<16xi32>], vector<16xf32>,
        %gather3A_193 = tpu.vector_load_idx %arg5[%get3A_156] : memref<100000xf32, #tpu.memory_space<vmem>>[vector<16xi32>], vector<16xf32>,
        %gather3A_194 = tpu.vector_load_idx %arg5[%get3A_162] : memref<100000xf32, #tpu.memory_space<vmem>>[vector<16xi32>], vector<16xf32>,
        %gather3A_195 = tpu.vector_load_idx %arg5[%get3A_168] : memref<100000xf32, #tpu.memory_space<vmem>>[vector<16xi32>], vector<16xf32>,
        %gather3A_196 = tpu.vector_load_idx %arg5[%get3A_174] : memref<100000xf32, #tpu.memory_space<vmem>>[vector<16xi32>], vector<16xf32>,
        %gather3A_197 = tpu.vector_load_idx %arg5[%get3A_180] : memref<100000xf32, #tpu.memory_space<vmem>>[vector<16xi32>], vector<16xf32>,
        %gather3A_198 = tpu.vector_load_idx %arg5[%get3A_186] : memref<100000xf32, #tpu.memory_space<vmem>>[vector<16xi32>], vector<16xf32>,
        %gather3A_199 = tpu.vector_load_idx %arg5[%get3A_192] : memref<100000xf32, #tpu.memory_space<vmem>>[vector<16xi32>], vector<16xf32>,
        %add3A_200 = arith.constant 0 : i32
        %add3A_201 = arith.addi %mul3A_145, %add3A_200 : i32
        %swap3A = arith.index_cast %add3A_201 : i32 to index
        %swap3A_202 = tpu.vector_load %arg8[%swap3A] {strides = array<i32>} : memref<4096xf32, #tpu.memory_space<vmem>>, vector<16xf32>,
        tpu.vector_store %arg8[%swap3A], %gather3A {strides = array<i32>} : memref<4096xf32, #tpu.memory_space<vmem>>, vector<16xf32>,
        %add3A_203 = arith.constant 16 : i32
        %add3A_204 = arith.addi %mul3A_145, %add3A_203 : i32
        %swap3A_205 = arith.index_cast %add3A_204 : i32 to index
        %swap3A_206 = tpu.vector_load %arg8[%swap3A_205] {strides = array<i32>} : memref<4096xf32, #tpu.memory_space<vmem>>, vector<16xf32>,
        tpu.vector_store %arg8[%swap3A_205], %gather3A_193 {strides = array<i32>} : memref<4096xf32, #tpu.memory_space<vmem>>, vector<16xf32>,
        %add3A_207 = arith.constant 32 : i32
        %add3A_208 = arith.addi %mul3A_145, %add3A_207 : i32
        %swap3A_209 = arith.index_cast %add3A_208 : i32 to index
        %swap3A_210 = tpu.vector_load %arg8[%swap3A_209] {strides = array<i32>} : memref<4096xf32, #tpu.memory_space<vmem>>, vector<16xf32>,
        tpu.vector_store %arg8[%swap3A_209], %gather3A_194 {strides = array<i32>} : memref<4096xf32, #tpu.memory_space<vmem>>, vector<16xf32>,
        %add3A_211 = arith.constant 48 : i32
        %add3A_212 = arith.addi %mul3A_145, %add3A_211 : i32
        %swap3A_213 = arith.index_cast %add3A_212 : i32 to index
        %swap3A_214 = tpu.vector_load %arg8[%swap3A_213] {strides = array<i32>} : memref<4096xf32, #tpu.memory_space<vmem>>, vector<16xf32>,
        tpu.vector_store %arg8[%swap3A_213], %gather3A_195 {strides = array<i32>} : memref<4096xf32, #tpu.memory_space<vmem>>, vector<16xf32>,
        %add3A_215 = arith.constant 64 : i32
        %add3A_216 = arith.addi %mul3A_145, %add3A_215 : i32
        %swap3A_217 = arith.index_cast %add3A_216 : i32 to index
        %swap3A_218 = tpu.vector_load %arg8[%swap3A_217] {strides = array<i32>} : memref<4096xf32, #tpu.memory_space<vmem>>, vector<16xf32>,
        tpu.vector_store %arg8[%swap3A_217], %gather3A_196 {strides = array<i32>} : memref<4096xf32, #tpu.memory_space<vmem>>, vector<16xf32>,
        %add3A_219 = arith.constant 80 : i32
        %add3A_220 = arith.addi %mul3A_145, %add3A_219 : i32
        %swap3A_221 = arith.index_cast %add3A_220 : i32 to index
        %swap3A_222 = tpu.vector_load %arg8[%swap3A_221] {strides = array<i32>} : memref<4096xf32, #tpu.memory_space<vmem>>, vector<16xf32>,
        tpu.vector_store %arg8[%swap3A_221], %gather3A_197 {strides = array<i32>} : memref<4096xf32, #tpu.memory_space<vmem>>, vector<16xf32>,
        %add3A_223 = arith.constant 96 : i32
        %add3A_224 = arith.addi %mul3A_145, %add3A_223 : i32
        %swap3A_225 = arith.index_cast %add3A_224 : i32 to index
        %swap3A_226 = tpu.vector_load %arg8[%swap3A_225] {strides = array<i32>} : memref<4096xf32, #tpu.memory_space<vmem>>, vector<16xf32>,
        tpu.vector_store %arg8[%swap3A_225], %gather3A_198 {strides = array<i32>} : memref<4096xf32, #tpu.memory_space<vmem>>, vector<16xf32>,
        %add3A_227 = arith.constant 112 : i32
        %add3A_228 = arith.addi %mul3A_145, %add3A_227 : i32
        %swap3A_229 = arith.index_cast %add3A_228 : i32 to index
        %swap3A_230 = tpu.vector_load %arg8[%swap3A_229] {strides = array<i32>} : memref<4096xf32, #tpu.memory_space<vmem>>, vector<16xf32>,
        tpu.vector_store %arg8[%swap3A_229], %gather3A_199 {strides = array<i32>} : memref<4096xf32, #tpu.memory_space<vmem>>, vector<16xf32>,
        %scan3A_231 = arith.constant 0 : i32
        %scan3A_232 = arith.constant 1 : i32
        %scan3A_233 = arith.addi %scan3A_142, %scan3A_232 : i32
        %mul3A_234 = arith.constant 128 : i32
        %mul3A_235 = arith.muli %scan3A_233, %mul3A_234 : i32
        %add3A_236 = arith.constant 0 : i32
        %add3A_237 = arith.addi %add3A_236, %mul3A_235 : i32
        %add3A_238 = arith.constant 0 : i32
        %add3A_239 = arith.addi %add3A_237, %add3A_238 : i32
        %get3A_240 = arith.index_cast %add3A_239 : i32 to index
        %get3A_241 = tpu.vector_load %arg6[%get3A_240] {strides = array<i32>} : memref<16384xi32, #tpu.memory_space<vmem>>, vector<16xi32>,
        %add3A_242 = arith.constant 0 : i32
        %add3A_243 = arith.addi %add3A_242, %mul3A_235 : i32
        %add3A_244 = arith.constant 16 : i32
        %add3A_245 = arith.addi %add3A_243, %add3A_244 : i32
        %get3A_246 = arith.index_cast %add3A_245 : i32 to index
        %get3A_247 = tpu.vector_load %arg6[%get3A_246] {strides = array<i32>} : memref<16384xi32, #tpu.memory_space<vmem>>, vector<16xi32>,
        %add3A_248 = arith.constant 0 : i32
        %add3A_249 = arith.addi %add3A_248, %mul3A_235 : i32
        %add3A_250 = arith.constant 32 : i32
        %add3A_251 = arith.addi %add3A_249, %add3A_250 : i32
        %get3A_252 = arith.index_cast %add3A_251 : i32 to index
        %get3A_253 = tpu.vector_load %arg6[%get3A_252] {strides = array<i32>} : memref<16384xi32, #tpu.memory_space<vmem>>, vector<16xi32>,
        %add3A_254 = arith.constant 0 : i32
        %add3A_255 = arith.addi %add3A_254, %mul3A_235 : i32
        %add3A_256 = arith.constant 48 : i32
        %add3A_257 = arith.addi %add3A_255, %add3A_256 : i32
        %get3A_258 = arith.index_cast %add3A_257 : i32 to index
        %get3A_259 = tpu.vector_load %arg6[%get3A_258] {strides = array<i32>} : memref<16384xi32, #tpu.memory_space<vmem>>, vector<16xi32>,
        %add3A_260 = arith.constant 0 : i32
        %add3A_261 = arith.addi %add3A_260, %mul3A_235 : i32
        %add3A_262 = arith.constant 64 : i32
        %add3A_263 = arith.addi %add3A_261, %add3A_262 : i32
        %get3A_264 = arith.index_cast %add3A_263 : i32 to index
        %get3A_265 = tpu.vector_load %arg6[%get3A_264] {strides = array<i32>} : memref<16384xi32, #tpu.memory_space<vmem>>, vector<16xi32>,
        %add3A_266 = arith.constant 0 : i32
        %add3A_267 = arith.addi %add3A_266, %mul3A_235 : i32
        %add3A_268 = arith.constant 80 : i32
        %add3A_269 = arith.addi %add3A_267, %add3A_268 : i32
        %get3A_270 = arith.index_cast %add3A_269 : i32 to index
        %get3A_271 = tpu.vector_load %arg6[%get3A_270] {strides = array<i32>} : memref<16384xi32, #tpu.memory_space<vmem>>, vector<16xi32>,
        %add3A_272 = arith.constant 0 : i32
        %add3A_273 = arith.addi %add3A_272, %mul3A_235 : i32
        %add3A_274 = arith.constant 96 : i32
        %add3A_275 = arith.addi %add3A_273, %add3A_274 : i32
        %get3A_276 = arith.index_cast %add3A_275 : i32 to index
        %get3A_277 = tpu.vector_load %arg6[%get3A_276] {strides = array<i32>} : memref<16384xi32, #tpu.memory_space<vmem>>, vector<16xi32>,
        %add3A_278 = arith.constant 0 : i32
        %add3A_279 = arith.addi %add3A_278, %mul3A_235 : i32
        %add3A_280 = arith.constant 112 : i32
        %add3A_281 = arith.addi %add3A_279, %add3A_280 : i32
        %get3A_282 = arith.index_cast %add3A_281 : i32 to index
        %get3A_283 = tpu.vector_load %arg6[%get3A_282] {strides = array<i32>} : memref<16384xi32, #tpu.memory_space<vmem>>, vector<16xi32>,
        %gather3A_284 = tpu.vector_load_idx %arg5[%get3A_241] : memref<100000xf32, #tpu.memory_space<vmem>>[vector<16xi32>], vector<16xf32>,
        %gather3A_285 = tpu.vector_load_idx %arg5[%get3A_247] : memref<100000xf32, #tpu.memory_space<vmem>>[vector<16xi32>], vector<16xf32>,
        %gather3A_286 = tpu.vector_load_idx %arg5[%get3A_253] : memref<100000xf32, #tpu.memory_space<vmem>>[vector<16xi32>], vector<16xf32>,
        %gather3A_287 = tpu.vector_load_idx %arg5[%get3A_259] : memref<100000xf32, #tpu.memory_space<vmem>>[vector<16xi32>], vector<16xf32>,
        %gather3A_288 = tpu.vector_load_idx %arg5[%get3A_265] : memref<100000xf32, #tpu.memory_space<vmem>>[vector<16xi32>], vector<16xf32>,
        %gather3A_289 = tpu.vector_load_idx %arg5[%get3A_271] : memref<100000xf32, #tpu.memory_space<vmem>>[vector<16xi32>], vector<16xf32>,
        %gather3A_290 = tpu.vector_load_idx %arg5[%get3A_277] : memref<100000xf32, #tpu.memory_space<vmem>>[vector<16xi32>], vector<16xf32>,
        %gather3A_291 = tpu.vector_load_idx %arg5[%get3A_283] : memref<100000xf32, #tpu.memory_space<vmem>>[vector<16xi32>], vector<16xf32>,
        %add3A_292 = arith.constant 0 : i32
        %add3A_293 = arith.addi %mul3A_235, %add3A_292 : i32
        %swap3A_294 = arith.index_cast %add3A_293 : i32 to index
        %swap3A_295 = tpu.vector_load %arg8[%swap3A_294] {strides = array<i32>} : memref<4096xf32, #tpu.memory_space<vmem>>, vector<16xf32>,
        tpu.vector_store %arg8[%swap3A_294], %gather3A_284 {strides = array<i32>} : memref<4096xf32, #tpu.memory_space<vmem>>, vector<16xf32>,
        %add3A_296 = arith.constant 16 : i32
        %add3A_297 = arith.addi %mul3A_235, %add3A_296 : i32
        %swap3A_298 = arith.index_cast %add3A_297 : i32 to index
        %swap3A_299 = tpu.vector_load %arg8[%swap3A_298] {strides = array<i32>} : memref<4096xf32, #tpu.memory_space<vmem>>, vector<16xf32>,
        tpu.vector_store %arg8[%swap3A_298], %gather3A_285 {strides = array<i32>} : memref<4096xf32, #tpu.memory_space<vmem>>, vector<16xf32>,
        %add3A_300 = arith.constant 32 : i32
        %add3A_301 = arith.addi %mul3A_235, %add3A_300 : i32
        %swap3A_302 = arith.index_cast %add3A_301 : i32 to index
        %swap3A_303 = tpu.vector_load %arg8[%swap3A_302] {strides = array<i32>} : memref<4096xf32, #tpu.memory_space<vmem>>, vector<16xf32>,
        tpu.vector_store %arg8[%swap3A_302], %gather3A_286 {strides = array<i32>} : memref<4096xf32, #tpu.memory_space<vmem>>, vector<16xf32>,
        %add3A_304 = arith.constant 48 : i32
        %add3A_305 = arith.addi %mul3A_235, %add3A_304 : i32
        %swap3A_306 = arith.index_cast %add3A_305 : i32 to index
        %swap3A_307 = tpu.vector_load %arg8[%swap3A_306] {strides = array<i32>} : memref<4096xf32, #tpu.memory_space<vmem>>, vector<16xf32>,
        tpu.vector_store %arg8[%swap3A_306], %gather3A_287 {strides = array<i32>} : memref<4096xf32, #tpu.memory_space<vmem>>, vector<16xf32>,
        %add3A_308 = arith.constant 64 : i32
        %add3A_309 = arith.addi %mul3A_235, %add3A_308 : i32
        %swap3A_310 = arith.index_cast %add3A_309 : i32 to index
        %swap3A_311 = tpu.vector_load %arg8[%swap3A_310] {strides = array<i32>} : memref<4096xf32, #tpu.memory_space<vmem>>, vector<16xf32>,
        tpu.vector_store %arg8[%swap3A_310], %gather3A_288 {strides = array<i32>} : memref<4096xf32, #tpu.memory_space<vmem>>, vector<16xf32>,
        %add3A_312 = arith.constant 80 : i32
        %add3A_313 = arith.addi %mul3A_235, %add3A_312 : i32
        %swap3A_314 = arith.index_cast %add3A_313 : i32 to index
        %swap3A_315 = tpu.vector_load %arg8[%swap3A_314] {strides = array<i32>} : memref<4096xf32, #tpu.memory_space<vmem>>, vector<16xf32>,
        tpu.vector_store %arg8[%swap3A_314], %gather3A_289 {strides = array<i32>} : memref<4096xf32, #tpu.memory_space<vmem>>, vector<16xf32>,
        %add3A_316 = arith.constant 96 : i32
        %add3A_317 = arith.addi %mul3A_235, %add3A_316 : i32
        %swap3A_318 = arith.index_cast %add3A_317 : i32 to index
        %swap3A_319 = tpu.vector_load %arg8[%swap3A_318] {strides = array<i32>} : memref<4096xf32, #tpu.memory_space<vmem>>, vector<16xf32>,
        tpu.vector_store %arg8[%swap3A_318], %gather3A_290 {strides = array<i32>} : memref<4096xf32, #tpu.memory_space<vmem>>, vector<16xf32>,
        %add3A_320 = arith.constant 112 : i32
        %add3A_321 = arith.addi %mul3A_235, %add3A_320 : i32
        %swap3A_322 = arith.index_cast %add3A_321 : i32 to index
        %swap3A_323 = tpu.vector_load %arg8[%swap3A_322] {strides = array<i32>} : memref<4096xf32, #tpu.memory_space<vmem>>, vector<16xf32>,
        tpu.vector_store %arg8[%swap3A_322], %gather3A_291 {strides = array<i32>} : memref<4096xf32, #tpu.memory_space<vmem>>, vector<16xf32>,
        %scan3A_324 = arith.constant 0 : i32
        scf.yield %scan3A_324 : i32
      }
      %scan3A_74 = arith.constant 32 : i32
      %dma_start3A_75 = arith.constant 0 : i32
      %dma_start3A_76 = tpu.memref_slice %arg4[%scan3A_24, %add3A, %dma_start3A_75] : memref<26x32x16384xf32, #tpu.memory_space<hbm>> -> memref<1x1x4096xf32, #tpu.memory_space<hbm>>
      %dma_start3A_77 = tpu.memref_squeeze %dma_start3A_76 : memref<1x1x4096xf32, #tpu.memory_space<hbm>> -> memref<4096xf32, #tpu.memory_space<hbm>>
      %dma_start3A_78 = arith.constant 0 : i32
      %dma_start3A_79 = tpu.memref_slice %arg4[%scan3A_24, %add3A, %dma_start3A_78] : memref<26x32x16384xf32, #tpu.memory_space<hbm>> -> memref<1x1x4096xf32, #tpu.memory_space<hbm>>
      %dma_start3A_80 = tpu.memref_squeeze %dma_start3A_79 : memref<1x1x4096xf32, #tpu.memory_space<hbm>> -> memref<4096xf32, #tpu.memory_space<hbm>>
      tpu.enqueue_dma source(%arg8 : memref<4096xf32, #tpu.memory_space<vmem>>) target(%dma_start3A_80 : memref<4096xf32, #tpu.memory_space<hbm>>) target_semaphore(%arg13 : memref<!tpu.dma_semaphore, #tpu.memory_space<semaphore_mem>>)
      %gt3A_81 = arith.constant 0 : i32
      %gt3A_82 = arith.cmpi sgt, %scan3A_24, %gt3A_81 : i32
      %convert_element_type3A_83 = arith.extui %gt3A_82 : i1 to i32
      %cond3A_84 = arith.constant 0 : i32
      %cond3A_85 = arith.cmpi ne, %convert_element_type3A_83, %cond3A_84 : i32
      scf.if %cond3A_85 {
        %dma_wait3A_142 = arith.constant 0 : i32
        %dma_wait3A_143 = arith.constant 0 : i32
        %dma_wait3A_144 = arith.constant 0 : i32
        %dma_wait3A_145 = tpu.memref_slice %arg4[%dma_wait3A_142, %dma_wait3A_143, %dma_wait3A_144] : memref<26x32x16384xf32, #tpu.memory_space<hbm>> -> memref<1x1x4096xf32, #tpu.memory_space<hbm>>
        %dma_wait3A_146 = tpu.memref_squeeze %dma_wait3A_145 : memref<1x1x4096xf32, #tpu.memory_space<hbm>> -> memref<4096xf32, #tpu.memory_space<hbm>>
        %dma_wait3A_147 = arith.constant 0 : i32
        %dma_wait3A_148 = tpu.memref_slice %arg4[%dma_wait3A_142, %dma_wait3A_143, %dma_wait3A_147] : memref<26x32x16384xf32, #tpu.memory_space<hbm>> -> memref<1x1x4096xf32, #tpu.memory_space<hbm>>
        %dma_wait3A_149 = tpu.memref_squeeze %dma_wait3A_148 : memref<1x1x4096xf32, #tpu.memory_space<hbm>> -> memref<4096xf32, #tpu.memory_space<hbm>>
        tpu.wait_dma2 semaphore(%arg14 : memref<!tpu.dma_semaphore, #tpu.memory_space<semaphore_mem>>) src(%arg9 : memref<4096xf32, #tpu.memory_space<vmem>>) dst(%dma_wait3A_149 : memref<4096xf32, #tpu.memory_space<hbm>>)
      } else {
      }
      %scan3A_86 = arith.constant 0 : i32
      %scan3A_87 = arith.constant 0 : i32
      %scan3A_88 = arith.constant 32 : i32
      %scan3A_89 = arith.addi %scan3A_87, %scan3A_88 : i32
      %scan3A_90 = arith.constant 2 : i32
      %scan3A_91 = scf.for %scan3A_142 = %scan3A_87 to %scan3A_89 step %scan3A_90 iter_args(%scan3A_143 = %scan3A_86) -> (i32)  : i32 {
        %mul3A_144 = arith.constant 128 : i32
        %mul3A_145 = arith.muli %scan3A_142, %mul3A_144 : i32
        %add3A_146 = arith.constant 4096 : i32
        %add3A_147 = arith.addi %add3A_146, %mul3A_145 : i32
        %add3A_148 = arith.constant 0 : i32
        %add3A_149 = arith.addi %add3A_147, %add3A_148 : i32
        %get3A = arith.index_cast %add3A_149 : i32 to index
        %get3A_150 = tpu.vector_load %arg6[%get3A] {strides = array<i32>} : memref<16384xi32, #tpu.memory_space<vmem>>, vector<16xi32>,
        %add3A_151 = arith.constant 4096 : i32
        %add3A_152 = arith.addi %add3A_151, %mul3A_145 : i32
        %add3A_153 = arith.constant 16 : i32
        %add3A_154 = arith.addi %add3A_152, %add3A_153 : i32
        %get3A_155 = arith.index_cast %add3A_154 : i32 to index
        %get3A_156 = tpu.vector_load %arg6[%get3A_155] {strides = array<i32>} : memref<16384xi32, #tpu.memory_space<vmem>>, vector<16xi32>,
        %add3A_157 = arith.constant 4096 : i32
        %add3A_158 = arith.addi %add3A_157, %mul3A_145 : i32
        %add3A_159 = arith.constant 32 : i32
        %add3A_160 = arith.addi %add3A_158, %add3A_159 : i32
        %get3A_161 = arith.index_cast %add3A_160 : i32 to index
        %get3A_162 = tpu.vector_load %arg6[%get3A_161] {strides = array<i32>} : memref<16384xi32, #tpu.memory_space<vmem>>, vector<16xi32>,
        %add3A_163 = arith.constant 4096 : i32
        %add3A_164 = arith.addi %add3A_163, %mul3A_145 : i32
        %add3A_165 = arith.constant 48 : i32
        %add3A_166 = arith.addi %add3A_164, %add3A_165 : i32
        %get3A_167 = arith.index_cast %add3A_166 : i32 to index
        %get3A_168 = tpu.vector_load %arg6[%get3A_167] {strides = array<i32>} : memref<16384xi32, #tpu.memory_space<vmem>>, vector<16xi32>,
        %add3A_169 = arith.constant 4096 : i32
        %add3A_170 = arith.addi %add3A_169, %mul3A_145 : i32
        %add3A_171 = arith.constant 64 : i32
        %add3A_172 = arith.addi %add3A_170, %add3A_171 : i32
        %get3A_173 = arith.index_cast %add3A_172 : i32 to index
        %get3A_174 = tpu.vector_load %arg6[%get3A_173] {strides = array<i32>} : memref<16384xi32, #tpu.memory_space<vmem>>, vector<16xi32>,
        %add3A_175 = arith.constant 4096 : i32
        %add3A_176 = arith.addi %add3A_175, %mul3A_145 : i32
        %add3A_177 = arith.constant 80 : i32
        %add3A_178 = arith.addi %add3A_176, %add3A_177 : i32
        %get3A_179 = arith.index_cast %add3A_178 : i32 to index
        %get3A_180 = tpu.vector_load %arg6[%get3A_179] {strides = array<i32>} : memref<16384xi32, #tpu.memory_space<vmem>>, vector<16xi32>,
        %add3A_181 = arith.constant 4096 : i32
        %add3A_182 = arith.addi %add3A_181, %mul3A_145 : i32
        %add3A_183 = arith.constant 96 : i32
        %add3A_184 = arith.addi %add3A_182, %add3A_183 : i32
        %get3A_185 = arith.index_cast %add3A_184 : i32 to index
        %get3A_186 = tpu.vector_load %arg6[%get3A_185] {strides = array<i32>} : memref<16384xi32, #tpu.memory_space<vmem>>, vector<16xi32>,
        %add3A_187 = arith.constant 4096 : i32
        %add3A_188 = arith.addi %add3A_187, %mul3A_145 : i32
        %add3A_189 = arith.constant 112 : i32
        %add3A_190 = arith.addi %add3A_188, %add3A_189 : i32
        %get3A_191 = arith.index_cast %add3A_190 : i32 to index
        %get3A_192 = tpu.vector_load %arg6[%get3A_191] {strides = array<i32>} : memref<16384xi32, #tpu.memory_space<vmem>>, vector<16xi32>,
        %gather3A = tpu.vector_load_idx %arg5[%get3A_150] : memref<100000xf32, #tpu.memory_space<vmem>>[vector<16xi32>], vector<16xf32>,
        %gather3A_193 = tpu.vector_load_idx %arg5[%get3A_156] : memref<100000xf32, #tpu.memory_space<vmem>>[vector<16xi32>], vector<16xf32>,
        %gather3A_194 = tpu.vector_load_idx %arg5[%get3A_162] : memref<100000xf32, #tpu.memory_space<vmem>>[vector<16xi32>], vector<16xf32>,
        %gather3A_195 = tpu.vector_load_idx %arg5[%get3A_168] : memref<100000xf32, #tpu.memory_space<vmem>>[vector<16xi32>], vector<16xf32>,
        %gather3A_196 = tpu.vector_load_idx %arg5[%get3A_174] : memref<100000xf32, #tpu.memory_space<vmem>>[vector<16xi32>], vector<16xf32>,
        %gather3A_197 = tpu.vector_load_idx %arg5[%get3A_180] : memref<100000xf32, #tpu.memory_space<vmem>>[vector<16xi32>], vector<16xf32>,
        %gather3A_198 = tpu.vector_load_idx %arg5[%get3A_186] : memref<100000xf32, #tpu.memory_space<vmem>>[vector<16xi32>], vector<16xf32>,
        %gather3A_199 = tpu.vector_load_idx %arg5[%get3A_192] : memref<100000xf32, #tpu.memory_space<vmem>>[vector<16xi32>], vector<16xf32>,
        %add3A_200 = arith.constant 0 : i32
        %add3A_201 = arith.addi %mul3A_145, %add3A_200 : i32
        %swap3A = arith.index_cast %add3A_201 : i32 to index
        %swap3A_202 = tpu.vector_load %arg9[%swap3A] {strides = array<i32>} : memref<4096xf32, #tpu.memory_space<vmem>>, vector<16xf32>,
        tpu.vector_store %arg9[%swap3A], %gather3A {strides = array<i32>} : memref<4096xf32, #tpu.memory_space<vmem>>, vector<16xf32>,
        %add3A_203 = arith.constant 16 : i32
        %add3A_204 = arith.addi %mul3A_145, %add3A_203 : i32
        %swap3A_205 = arith.index_cast %add3A_204 : i32 to index
        %swap3A_206 = tpu.vector_load %arg9[%swap3A_205] {strides = array<i32>} : memref<4096xf32, #tpu.memory_space<vmem>>, vector<16xf32>,
        tpu.vector_store %arg9[%swap3A_205], %gather3A_193 {strides = array<i32>} : memref<4096xf32, #tpu.memory_space<vmem>>, vector<16xf32>,
        %add3A_207 = arith.constant 32 : i32
        %add3A_208 = arith.addi %mul3A_145, %add3A_207 : i32
        %swap3A_209 = arith.index_cast %add3A_208 : i32 to index
        %swap3A_210 = tpu.vector_load %arg9[%swap3A_209] {strides = array<i32>} : memref<4096xf32, #tpu.memory_space<vmem>>, vector<16xf32>,
        tpu.vector_store %arg9[%swap3A_209], %gather3A_194 {strides = array<i32>} : memref<4096xf32, #tpu.memory_space<vmem>>, vector<16xf32>,
        %add3A_211 = arith.constant 48 : i32
        %add3A_212 = arith.addi %mul3A_145, %add3A_211 : i32
        %swap3A_213 = arith.index_cast %add3A_212 : i32 to index
        %swap3A_214 = tpu.vector_load %arg9[%swap3A_213] {strides = array<i32>} : memref<4096xf32, #tpu.memory_space<vmem>>, vector<16xf32>,
        tpu.vector_store %arg9[%swap3A_213], %gather3A_195 {strides = array<i32>} : memref<4096xf32, #tpu.memory_space<vmem>>, vector<16xf32>,
        %add3A_215 = arith.constant 64 : i32
        %add3A_216 = arith.addi %mul3A_145, %add3A_215 : i32
        %swap3A_217 = arith.index_cast %add3A_216 : i32 to index
        %swap3A_218 = tpu.vector_load %arg9[%swap3A_217] {strides = array<i32>} : memref<4096xf32, #tpu.memory_space<vmem>>, vector<16xf32>,
        tpu.vector_store %arg9[%swap3A_217], %gather3A_196 {strides = array<i32>} : memref<4096xf32, #tpu.memory_space<vmem>>, vector<16xf32>,
        %add3A_219 = arith.constant 80 : i32
        %add3A_220 = arith.addi %mul3A_145, %add3A_219 : i32
        %swap3A_221 = arith.index_cast %add3A_220 : i32 to index
        %swap3A_222 = tpu.vector_load %arg9[%swap3A_221] {strides = array<i32>} : memref<4096xf32, #tpu.memory_space<vmem>>, vector<16xf32>,
        tpu.vector_store %arg9[%swap3A_221], %gather3A_197 {strides = array<i32>} : memref<4096xf32, #tpu.memory_space<vmem>>, vector<16xf32>,
        %add3A_223 = arith.constant 96 : i32
        %add3A_224 = arith.addi %mul3A_145, %add3A_223 : i32
        %swap3A_225 = arith.index_cast %add3A_224 : i32 to index
        %swap3A_226 = tpu.vector_load %arg9[%swap3A_225] {strides = array<i32>} : memref<4096xf32, #tpu.memory_space<vmem>>, vector<16xf32>,
        tpu.vector_store %arg9[%swap3A_225], %gather3A_198 {strides = array<i32>} : memref<4096xf32, #tpu.memory_space<vmem>>, vector<16xf32>,
        %add3A_227 = arith.constant 112 : i32
        %add3A_228 = arith.addi %mul3A_145, %add3A_227 : i32
        %swap3A_229 = arith.index_cast %add3A_228 : i32 to index
        %swap3A_230 = tpu.vector_load %arg9[%swap3A_229] {strides = array<i32>} : memref<4096xf32, #tpu.memory_space<vmem>>, vector<16xf32>,
        tpu.vector_store %arg9[%swap3A_229], %gather3A_199 {strides = array<i32>} : memref<4096xf32, #tpu.memory_space<vmem>>, vector<16xf32>,
        %scan3A_231 = arith.constant 0 : i32
        %scan3A_232 = arith.constant 1 : i32
        %scan3A_233 = arith.addi %scan3A_142, %scan3A_232 : i32
        %mul3A_234 = arith.constant 128 : i32
        %mul3A_235 = arith.muli %scan3A_233, %mul3A_234 : i32
        %add3A_236 = arith.constant 4096 : i32
        %add3A_237 = arith.addi %add3A_236, %mul3A_235 : i32
        %add3A_238 = arith.constant 0 : i32
        %add3A_239 = arith.addi %add3A_237, %add3A_238 : i32
        %get3A_240 = arith.index_cast %add3A_239 : i32 to index
        %get3A_241 = tpu.vector_load %arg6[%get3A_240] {strides = array<i32>} : memref<16384xi32, #tpu.memory_space<vmem>>, vector<16xi32>,
        %add3A_242 = arith.constant 4096 : i32
        %add3A_243 = arith.addi %add3A_242, %mul3A_235 : i32
        %add3A_244 = arith.constant 16 : i32
        %add3A_245 = arith.addi %add3A_243, %add3A_244 : i32
        %get3A_246 = arith.index_cast %add3A_245 : i32 to index
        %get3A_247 = tpu.vector_load %arg6[%get3A_246] {strides = array<i32>} : memref<16384xi32, #tpu.memory_space<vmem>>, vector<16xi32>,
        %add3A_248 = arith.constant 4096 : i32
        %add3A_249 = arith.addi %add3A_248, %mul3A_235 : i32
        %add3A_250 = arith.constant 32 : i32
        %add3A_251 = arith.addi %add3A_249, %add3A_250 : i32
        %get3A_252 = arith.index_cast %add3A_251 : i32 to index
        %get3A_253 = tpu.vector_load %arg6[%get3A_252] {strides = array<i32>} : memref<16384xi32, #tpu.memory_space<vmem>>, vector<16xi32>,
        %add3A_254 = arith.constant 4096 : i32
        %add3A_255 = arith.addi %add3A_254, %mul3A_235 : i32
        %add3A_256 = arith.constant 48 : i32
        %add3A_257 = arith.addi %add3A_255, %add3A_256 : i32
        %get3A_258 = arith.index_cast %add3A_257 : i32 to index
        %get3A_259 = tpu.vector_load %arg6[%get3A_258] {strides = array<i32>} : memref<16384xi32, #tpu.memory_space<vmem>>, vector<16xi32>,
        %add3A_260 = arith.constant 4096 : i32
        %add3A_261 = arith.addi %add3A_260, %mul3A_235 : i32
        %add3A_262 = arith.constant 64 : i32
        %add3A_263 = arith.addi %add3A_261, %add3A_262 : i32
        %get3A_264 = arith.index_cast %add3A_263 : i32 to index
        %get3A_265 = tpu.vector_load %arg6[%get3A_264] {strides = array<i32>} : memref<16384xi32, #tpu.memory_space<vmem>>, vector<16xi32>,
        %add3A_266 = arith.constant 4096 : i32
        %add3A_267 = arith.addi %add3A_266, %mul3A_235 : i32
        %add3A_268 = arith.constant 80 : i32
        %add3A_269 = arith.addi %add3A_267, %add3A_268 : i32
        %get3A_270 = arith.index_cast %add3A_269 : i32 to index
        %get3A_271 = tpu.vector_load %arg6[%get3A_270] {strides = array<i32>} : memref<16384xi32, #tpu.memory_space<vmem>>, vector<16xi32>,
        %add3A_272 = arith.constant 4096 : i32
        %add3A_273 = arith.addi %add3A_272, %mul3A_235 : i32
        %add3A_274 = arith.constant 96 : i32
        %add3A_275 = arith.addi %add3A_273, %add3A_274 : i32
        %get3A_276 = arith.index_cast %add3A_275 : i32 to index
        %get3A_277 = tpu.vector_load %arg6[%get3A_276] {strides = array<i32>} : memref<16384xi32, #tpu.memory_space<vmem>>, vector<16xi32>,
        %add3A_278 = arith.constant 4096 : i32
        %add3A_279 = arith.addi %add3A_278, %mul3A_235 : i32
        %add3A_280 = arith.constant 112 : i32
        %add3A_281 = arith.addi %add3A_279, %add3A_280 : i32
        %get3A_282 = arith.index_cast %add3A_281 : i32 to index
        %get3A_283 = tpu.vector_load %arg6[%get3A_282] {strides = array<i32>} : memref<16384xi32, #tpu.memory_space<vmem>>, vector<16xi32>,
        %gather3A_284 = tpu.vector_load_idx %arg5[%get3A_241] : memref<100000xf32, #tpu.memory_space<vmem>>[vector<16xi32>], vector<16xf32>,
        %gather3A_285 = tpu.vector_load_idx %arg5[%get3A_247] : memref<100000xf32, #tpu.memory_space<vmem>>[vector<16xi32>], vector<16xf32>,
        %gather3A_286 = tpu.vector_load_idx %arg5[%get3A_253] : memref<100000xf32, #tpu.memory_space<vmem>>[vector<16xi32>], vector<16xf32>,
        %gather3A_287 = tpu.vector_load_idx %arg5[%get3A_259] : memref<100000xf32, #tpu.memory_space<vmem>>[vector<16xi32>], vector<16xf32>,
        %gather3A_288 = tpu.vector_load_idx %arg5[%get3A_265] : memref<100000xf32, #tpu.memory_space<vmem>>[vector<16xi32>], vector<16xf32>,
        %gather3A_289 = tpu.vector_load_idx %arg5[%get3A_271] : memref<100000xf32, #tpu.memory_space<vmem>>[vector<16xi32>], vector<16xf32>,
        %gather3A_290 = tpu.vector_load_idx %arg5[%get3A_277] : memref<100000xf32, #tpu.memory_space<vmem>>[vector<16xi32>], vector<16xf32>,
        %gather3A_291 = tpu.vector_load_idx %arg5[%get3A_283] : memref<100000xf32, #tpu.memory_space<vmem>>[vector<16xi32>], vector<16xf32>,
        %add3A_292 = arith.constant 0 : i32
        %add3A_293 = arith.addi %mul3A_235, %add3A_292 : i32
        %swap3A_294 = arith.index_cast %add3A_293 : i32 to index
        %swap3A_295 = tpu.vector_load %arg9[%swap3A_294] {strides = array<i32>} : memref<4096xf32, #tpu.memory_space<vmem>>, vector<16xf32>,
        tpu.vector_store %arg9[%swap3A_294], %gather3A_284 {strides = array<i32>} : memref<4096xf32, #tpu.memory_space<vmem>>, vector<16xf32>,
        %add3A_296 = arith.constant 16 : i32
        %add3A_297 = arith.addi %mul3A_235, %add3A_296 : i32
        %swap3A_298 = arith.index_cast %add3A_297 : i32 to index
        %swap3A_299 = tpu.vector_load %arg9[%swap3A_298] {strides = array<i32>} : memref<4096xf32, #tpu.memory_space<vmem>>, vector<16xf32>,
        tpu.vector_store %arg9[%swap3A_298], %gather3A_285 {strides = array<i32>} : memref<4096xf32, #tpu.memory_space<vmem>>, vector<16xf32>,
        %add3A_300 = arith.constant 32 : i32
        %add3A_301 = arith.addi %mul3A_235, %add3A_300 : i32
        %swap3A_302 = arith.index_cast %add3A_301 : i32 to index
        %swap3A_303 = tpu.vector_load %arg9[%swap3A_302] {strides = array<i32>} : memref<4096xf32, #tpu.memory_space<vmem>>, vector<16xf32>,
        tpu.vector_store %arg9[%swap3A_302], %gather3A_286 {strides = array<i32>} : memref<4096xf32, #tpu.memory_space<vmem>>, vector<16xf32>,
        %add3A_304 = arith.constant 48 : i32
        %add3A_305 = arith.addi %mul3A_235, %add3A_304 : i32
        %swap3A_306 = arith.index_cast %add3A_305 : i32 to index
        %swap3A_307 = tpu.vector_load %arg9[%swap3A_306] {strides = array<i32>} : memref<4096xf32, #tpu.memory_space<vmem>>, vector<16xf32>,
        tpu.vector_store %arg9[%swap3A_306], %gather3A_287 {strides = array<i32>} : memref<4096xf32, #tpu.memory_space<vmem>>, vector<16xf32>,
        %add3A_308 = arith.constant 64 : i32
        %add3A_309 = arith.addi %mul3A_235, %add3A_308 : i32
        %swap3A_310 = arith.index_cast %add3A_309 : i32 to index
        %swap3A_311 = tpu.vector_load %arg9[%swap3A_310] {strides = array<i32>} : memref<4096xf32, #tpu.memory_space<vmem>>, vector<16xf32>,
        tpu.vector_store %arg9[%swap3A_310], %gather3A_288 {strides = array<i32>} : memref<4096xf32, #tpu.memory_space<vmem>>, vector<16xf32>,
        %add3A_312 = arith.constant 80 : i32
        %add3A_313 = arith.addi %mul3A_235, %add3A_312 : i32
        %swap3A_314 = arith.index_cast %add3A_313 : i32 to index
        %swap3A_315 = tpu.vector_load %arg9[%swap3A_314] {strides = array<i32>} : memref<4096xf32, #tpu.memory_space<vmem>>, vector<16xf32>,
        tpu.vector_store %arg9[%swap3A_314], %gather3A_289 {strides = array<i32>} : memref<4096xf32, #tpu.memory_space<vmem>>, vector<16xf32>,
        %add3A_316 = arith.constant 96 : i32
        %add3A_317 = arith.addi %mul3A_235, %add3A_316 : i32
        %swap3A_318 = arith.index_cast %add3A_317 : i32 to index
        %swap3A_319 = tpu.vector_load %arg9[%swap3A_318] {strides = array<i32>} : memref<4096xf32, #tpu.memory_space<vmem>>, vector<16xf32>,
        tpu.vector_store %arg9[%swap3A_318], %gather3A_290 {strides = array<i32>} : memref<4096xf32, #tpu.memory_space<vmem>>, vector<16xf32>,
        %add3A_320 = arith.constant 112 : i32
        %add3A_321 = arith.addi %mul3A_235, %add3A_320 : i32
        %swap3A_322 = arith.index_cast %add3A_321 : i32 to index
        %swap3A_323 = tpu.vector_load %arg9[%swap3A_322] {strides = array<i32>} : memref<4096xf32, #tpu.memory_space<vmem>>, vector<16xf32>,
        tpu.vector_store %arg9[%swap3A_322], %gather3A_291 {strides = array<i32>} : memref<4096xf32, #tpu.memory_space<vmem>>, vector<16xf32>,
        %scan3A_324 = arith.constant 0 : i32
        scf.yield %scan3A_324 : i32
      }
      %scan3A_92 = arith.constant 32 : i32
      %dma_start3A_93 = arith.constant 4096 : i32
      %dma_start3A_94 = tpu.memref_slice %arg4[%scan3A_24, %add3A, %dma_start3A_93] : memref<26x32x16384xf32, #tpu.memory_space<hbm>> -> memref<1x1x4096xf32, #tpu.memory_space<hbm>>
      %dma_start3A_95 = tpu.memref_squeeze %dma_start3A_94 : memref<1x1x4096xf32, #tpu.memory_space<hbm>> -> memref<4096xf32, #tpu.memory_space<hbm>>
      %dma_start3A_96 = arith.constant 4096 : i32
      %dma_start3A_97 = tpu.memref_slice %arg4[%scan3A_24, %add3A, %dma_start3A_96] : memref<26x32x16384xf32, #tpu.memory_space<hbm>> -> memref<1x1x4096xf32, #tpu.memory_space<hbm>>
      %dma_start3A_98 = tpu.memref_squeeze %dma_start3A_97 : memref<1x1x4096xf32, #tpu.memory_space<hbm>> -> memref<4096xf32, #tpu.memory_space<hbm>>
      tpu.enqueue_dma source(%arg9 : memref<4096xf32, #tpu.memory_space<vmem>>) target(%dma_start3A_98 : memref<4096xf32, #tpu.memory_space<hbm>>) target_semaphore(%arg14 : memref<!tpu.dma_semaphore, #tpu.memory_space<semaphore_mem>>)
      %dma_wait3A_99 = arith.constant 0 : i32
      %dma_wait3A_100 = arith.constant 0 : i32
      %dma_wait3A_101 = arith.constant 0 : i32
      %dma_wait3A_102 = tpu.memref_slice %arg4[%dma_wait3A_99, %dma_wait3A_100, %dma_wait3A_101] : memref<26x32x16384xf32, #tpu.memory_space<hbm>> -> memref<1x1x4096xf32, #tpu.memory_space<hbm>>
      %dma_wait3A_103 = tpu.memref_squeeze %dma_wait3A_102 : memref<1x1x4096xf32, #tpu.memory_space<hbm>> -> memref<4096xf32, #tpu.memory_space<hbm>>
      %dma_wait3A_104 = arith.constant 0 : i32
      %dma_wait3A_105 = tpu.memref_slice %arg4[%dma_wait3A_99, %dma_wait3A_100, %dma_wait3A_104] : memref<26x32x16384xf32, #tpu.memory_space<hbm>> -> memref<1x1x4096xf32, #tpu.memory_space<hbm>>
      %dma_wait3A_106 = tpu.memref_squeeze %dma_wait3A_105 : memref<1x1x4096xf32, #tpu.memory_space<hbm>> -> memref<4096xf32, #tpu.memory_space<hbm>>
      tpu.wait_dma2 semaphore(%arg13 : memref<!tpu.dma_semaphore, #tpu.memory_space<semaphore_mem>>) src(%arg8 : memref<4096xf32, #tpu.memory_space<vmem>>) dst(%dma_wait3A_106 : memref<4096xf32, #tpu.memory_space<hbm>>)
      %scan3A_107 = arith.constant 0 : i32
      %scan3A_108 = arith.constant 0 : i32
      %scan3A_109 = arith.constant 32 : i32
      %scan3A_110 = arith.addi %scan3A_108, %scan3A_109 : i32
      %scan3A_111 = arith.constant 2 : i32
      %scan3A_112 = scf.for %scan3A_142 = %scan3A_108 to %scan3A_110 step %scan3A_111 iter_args(%scan3A_143 = %scan3A_107) -> (i32)  : i32 {
        %mul3A_144 = arith.constant 128 : i32
        %mul3A_145 = arith.muli %scan3A_142, %mul3A_144 : i32
        %add3A_146 = arith.constant 8192 : i32
        %add3A_147 = arith.addi %add3A_146, %mul3A_145 : i32
        %add3A_148 = arith.constant 0 : i32
        %add3A_149 = arith.addi %add3A_147, %add3A_148 : i32
        %get3A = arith.index_cast %add3A_149 : i32 to index
        %get3A_150 = tpu.vector_load %arg6[%get3A] {strides = array<i32>} : memref<16384xi32, #tpu.memory_space<vmem>>, vector<16xi32>,
        %add3A_151 = arith.constant 8192 : i32
        %add3A_152 = arith.addi %add3A_151, %mul3A_145 : i32
        %add3A_153 = arith.constant 16 : i32
        %add3A_154 = arith.addi %add3A_152, %add3A_153 : i32
        %get3A_155 = arith.index_cast %add3A_154 : i32 to index
        %get3A_156 = tpu.vector_load %arg6[%get3A_155] {strides = array<i32>} : memref<16384xi32, #tpu.memory_space<vmem>>, vector<16xi32>,
        %add3A_157 = arith.constant 8192 : i32
        %add3A_158 = arith.addi %add3A_157, %mul3A_145 : i32
        %add3A_159 = arith.constant 32 : i32
        %add3A_160 = arith.addi %add3A_158, %add3A_159 : i32
        %get3A_161 = arith.index_cast %add3A_160 : i32 to index
        %get3A_162 = tpu.vector_load %arg6[%get3A_161] {strides = array<i32>} : memref<16384xi32, #tpu.memory_space<vmem>>, vector<16xi32>,
        %add3A_163 = arith.constant 8192 : i32
        %add3A_164 = arith.addi %add3A_163, %mul3A_145 : i32
        %add3A_165 = arith.constant 48 : i32
        %add3A_166 = arith.addi %add3A_164, %add3A_165 : i32
        %get3A_167 = arith.index_cast %add3A_166 : i32 to index
        %get3A_168 = tpu.vector_load %arg6[%get3A_167] {strides = array<i32>} : memref<16384xi32, #tpu.memory_space<vmem>>, vector<16xi32>,
        %add3A_169 = arith.constant 8192 : i32
        %add3A_170 = arith.addi %add3A_169, %mul3A_145 : i32
        %add3A_171 = arith.constant 64 : i32
        %add3A_172 = arith.addi %add3A_170, %add3A_171 : i32
        %get3A_173 = arith.index_cast %add3A_172 : i32 to index
        %get3A_174 = tpu.vector_load %arg6[%get3A_173] {strides = array<i32>} : memref<16384xi32, #tpu.memory_space<vmem>>, vector<16xi32>,
        %add3A_175 = arith.constant 8192 : i32
        %add3A_176 = arith.addi %add3A_175, %mul3A_145 : i32
        %add3A_177 = arith.constant 80 : i32
        %add3A_178 = arith.addi %add3A_176, %add3A_177 : i32
        %get3A_179 = arith.index_cast %add3A_178 : i32 to index
        %get3A_180 = tpu.vector_load %arg6[%get3A_179] {strides = array<i32>} : memref<16384xi32, #tpu.memory_space<vmem>>, vector<16xi32>,
        %add3A_181 = arith.constant 8192 : i32
        %add3A_182 = arith.addi %add3A_181, %mul3A_145 : i32
        %add3A_183 = arith.constant 96 : i32
        %add3A_184 = arith.addi %add3A_182, %add3A_183 : i32
        %get3A_185 = arith.index_cast %add3A_184 : i32 to index
        %get3A_186 = tpu.vector_load %arg6[%get3A_185] {strides = array<i32>} : memref<16384xi32, #tpu.memory_space<vmem>>, vector<16xi32>,
        %add3A_187 = arith.constant 8192 : i32
        %add3A_188 = arith.addi %add3A_187, %mul3A_145 : i32
        %add3A_189 = arith.constant 112 : i32
        %add3A_190 = arith.addi %add3A_188, %add3A_189 : i32
        %get3A_191 = arith.index_cast %add3A_190 : i32 to index
        %get3A_192 = tpu.vector_load %arg6[%get3A_191] {strides = array<i32>} : memref<16384xi32, #tpu.memory_space<vmem>>, vector<16xi32>,
        %gather3A = tpu.vector_load_idx %arg5[%get3A_150] : memref<100000xf32, #tpu.memory_space<vmem>>[vector<16xi32>], vector<16xf32>,
        %gather3A_193 = tpu.vector_load_idx %arg5[%get3A_156] : memref<100000xf32, #tpu.memory_space<vmem>>[vector<16xi32>], vector<16xf32>,
        %gather3A_194 = tpu.vector_load_idx %arg5[%get3A_162] : memref<100000xf32, #tpu.memory_space<vmem>>[vector<16xi32>], vector<16xf32>,
        %gather3A_195 = tpu.vector_load_idx %arg5[%get3A_168] : memref<100000xf32, #tpu.memory_space<vmem>>[vector<16xi32>], vector<16xf32>,
        %gather3A_196 = tpu.vector_load_idx %arg5[%get3A_174] : memref<100000xf32, #tpu.memory_space<vmem>>[vector<16xi32>], vector<16xf32>,
        %gather3A_197 = tpu.vector_load_idx %arg5[%get3A_180] : memref<100000xf32, #tpu.memory_space<vmem>>[vector<16xi32>], vector<16xf32>,
        %gather3A_198 = tpu.vector_load_idx %arg5[%get3A_186] : memref<100000xf32, #tpu.memory_space<vmem>>[vector<16xi32>], vector<16xf32>,
        %gather3A_199 = tpu.vector_load_idx %arg5[%get3A_192] : memref<100000xf32, #tpu.memory_space<vmem>>[vector<16xi32>], vector<16xf32>,
        %add3A_200 = arith.constant 0 : i32
        %add3A_201 = arith.addi %mul3A_145, %add3A_200 : i32
        %swap3A = arith.index_cast %add3A_201 : i32 to index
        %swap3A_202 = tpu.vector_load %arg8[%swap3A] {strides = array<i32>} : memref<4096xf32, #tpu.memory_space<vmem>>, vector<16xf32>,
        tpu.vector_store %arg8[%swap3A], %gather3A {strides = array<i32>} : memref<4096xf32, #tpu.memory_space<vmem>>, vector<16xf32>,
        %add3A_203 = arith.constant 16 : i32
        %add3A_204 = arith.addi %mul3A_145, %add3A_203 : i32
        %swap3A_205 = arith.index_cast %add3A_204 : i32 to index
        %swap3A_206 = tpu.vector_load %arg8[%swap3A_205] {strides = array<i32>} : memref<4096xf32, #tpu.memory_space<vmem>>, vector<16xf32>,
        tpu.vector_store %arg8[%swap3A_205], %gather3A_193 {strides = array<i32>} : memref<4096xf32, #tpu.memory_space<vmem>>, vector<16xf32>,
        %add3A_207 = arith.constant 32 : i32
        %add3A_208 = arith.addi %mul3A_145, %add3A_207 : i32
        %swap3A_209 = arith.index_cast %add3A_208 : i32 to index
        %swap3A_210 = tpu.vector_load %arg8[%swap3A_209] {strides = array<i32>} : memref<4096xf32, #tpu.memory_space<vmem>>, vector<16xf32>,
        tpu.vector_store %arg8[%swap3A_209], %gather3A_194 {strides = array<i32>} : memref<4096xf32, #tpu.memory_space<vmem>>, vector<16xf32>,
        %add3A_211 = arith.constant 48 : i32
        %add3A_212 = arith.addi %mul3A_145, %add3A_211 : i32
        %swap3A_213 = arith.index_cast %add3A_212 : i32 to index
        %swap3A_214 = tpu.vector_load %arg8[%swap3A_213] {strides = array<i32>} : memref<4096xf32, #tpu.memory_space<vmem>>, vector<16xf32>,
        tpu.vector_store %arg8[%swap3A_213], %gather3A_195 {strides = array<i32>} : memref<4096xf32, #tpu.memory_space<vmem>>, vector<16xf32>,
        %add3A_215 = arith.constant 64 : i32
        %add3A_216 = arith.addi %mul3A_145, %add3A_215 : i32
        %swap3A_217 = arith.index_cast %add3A_216 : i32 to index
        %swap3A_218 = tpu.vector_load %arg8[%swap3A_217] {strides = array<i32>} : memref<4096xf32, #tpu.memory_space<vmem>>, vector<16xf32>,
        tpu.vector_store %arg8[%swap3A_217], %gather3A_196 {strides = array<i32>} : memref<4096xf32, #tpu.memory_space<vmem>>, vector<16xf32>,
        %add3A_219 = arith.constant 80 : i32
        %add3A_220 = arith.addi %mul3A_145, %add3A_219 : i32
        %swap3A_221 = arith.index_cast %add3A_220 : i32 to index
        %swap3A_222 = tpu.vector_load %arg8[%swap3A_221] {strides = array<i32>} : memref<4096xf32, #tpu.memory_space<vmem>>, vector<16xf32>,
        tpu.vector_store %arg8[%swap3A_221], %gather3A_197 {strides = array<i32>} : memref<4096xf32, #tpu.memory_space<vmem>>, vector<16xf32>,
        %add3A_223 = arith.constant 96 : i32
        %add3A_224 = arith.addi %mul3A_145, %add3A_223 : i32
        %swap3A_225 = arith.index_cast %add3A_224 : i32 to index
        %swap3A_226 = tpu.vector_load %arg8[%swap3A_225] {strides = array<i32>} : memref<4096xf32, #tpu.memory_space<vmem>>, vector<16xf32>,
        tpu.vector_store %arg8[%swap3A_225], %gather3A_198 {strides = array<i32>} : memref<4096xf32, #tpu.memory_space<vmem>>, vector<16xf32>,
        %add3A_227 = arith.constant 112 : i32
        %add3A_228 = arith.addi %mul3A_145, %add3A_227 : i32
        %swap3A_229 = arith.index_cast %add3A_228 : i32 to index
        %swap3A_230 = tpu.vector_load %arg8[%swap3A_229] {strides = array<i32>} : memref<4096xf32, #tpu.memory_space<vmem>>, vector<16xf32>,
        tpu.vector_store %arg8[%swap3A_229], %gather3A_199 {strides = array<i32>} : memref<4096xf32, #tpu.memory_space<vmem>>, vector<16xf32>,
        %scan3A_231 = arith.constant 0 : i32
        %scan3A_232 = arith.constant 1 : i32
        %scan3A_233 = arith.addi %scan3A_142, %scan3A_232 : i32
        %mul3A_234 = arith.constant 128 : i32
        %mul3A_235 = arith.muli %scan3A_233, %mul3A_234 : i32
        %add3A_236 = arith.constant 8192 : i32
        %add3A_237 = arith.addi %add3A_236, %mul3A_235 : i32
        %add3A_238 = arith.constant 0 : i32
        %add3A_239 = arith.addi %add3A_237, %add3A_238 : i32
        %get3A_240 = arith.index_cast %add3A_239 : i32 to index
        %get3A_241 = tpu.vector_load %arg6[%get3A_240] {strides = array<i32>} : memref<16384xi32, #tpu.memory_space<vmem>>, vector<16xi32>,
        %add3A_242 = arith.constant 8192 : i32
        %add3A_243 = arith.addi %add3A_242, %mul3A_235 : i32
        %add3A_244 = arith.constant 16 : i32
        %add3A_245 = arith.addi %add3A_243, %add3A_244 : i32
        %get3A_246 = arith.index_cast %add3A_245 : i32 to index
        %get3A_247 = tpu.vector_load %arg6[%get3A_246] {strides = array<i32>} : memref<16384xi32, #tpu.memory_space<vmem>>, vector<16xi32>,
        %add3A_248 = arith.constant 8192 : i32
        %add3A_249 = arith.addi %add3A_248, %mul3A_235 : i32
        %add3A_250 = arith.constant 32 : i32
        %add3A_251 = arith.addi %add3A_249, %add3A_250 : i32
        %get3A_252 = arith.index_cast %add3A_251 : i32 to index
        %get3A_253 = tpu.vector_load %arg6[%get3A_252] {strides = array<i32>} : memref<16384xi32, #tpu.memory_space<vmem>>, vector<16xi32>,
        %add3A_254 = arith.constant 8192 : i32
        %add3A_255 = arith.addi %add3A_254, %mul3A_235 : i32
        %add3A_256 = arith.constant 48 : i32
        %add3A_257 = arith.addi %add3A_255, %add3A_256 : i32
        %get3A_258 = arith.index_cast %add3A_257 : i32 to index
        %get3A_259 = tpu.vector_load %arg6[%get3A_258] {strides = array<i32>} : memref<16384xi32, #tpu.memory_space<vmem>>, vector<16xi32>,
        %add3A_260 = arith.constant 8192 : i32
        %add3A_261 = arith.addi %add3A_260, %mul3A_235 : i32
        %add3A_262 = arith.constant 64 : i32
        %add3A_263 = arith.addi %add3A_261, %add3A_262 : i32
        %get3A_264 = arith.index_cast %add3A_263 : i32 to index
        %get3A_265 = tpu.vector_load %arg6[%get3A_264] {strides = array<i32>} : memref<16384xi32, #tpu.memory_space<vmem>>, vector<16xi32>,
        %add3A_266 = arith.constant 8192 : i32
        %add3A_267 = arith.addi %add3A_266, %mul3A_235 : i32
        %add3A_268 = arith.constant 80 : i32
        %add3A_269 = arith.addi %add3A_267, %add3A_268 : i32
        %get3A_270 = arith.index_cast %add3A_269 : i32 to index
        %get3A_271 = tpu.vector_load %arg6[%get3A_270] {strides = array<i32>} : memref<16384xi32, #tpu.memory_space<vmem>>, vector<16xi32>,
        %add3A_272 = arith.constant 8192 : i32
        %add3A_273 = arith.addi %add3A_272, %mul3A_235 : i32
        %add3A_274 = arith.constant 96 : i32
        %add3A_275 = arith.addi %add3A_273, %add3A_274 : i32
        %get3A_276 = arith.index_cast %add3A_275 : i32 to index
        %get3A_277 = tpu.vector_load %arg6[%get3A_276] {strides = array<i32>} : memref<16384xi32, #tpu.memory_space<vmem>>, vector<16xi32>,
        %add3A_278 = arith.constant 8192 : i32
        %add3A_279 = arith.addi %add3A_278, %mul3A_235 : i32
        %add3A_280 = arith.constant 112 : i32
        %add3A_281 = arith.addi %add3A_279, %add3A_280 : i32
        %get3A_282 = arith.index_cast %add3A_281 : i32 to index
        %get3A_283 = tpu.vector_load %arg6[%get3A_282] {strides = array<i32>} : memref<16384xi32, #tpu.memory_space<vmem>>, vector<16xi32>,
        %gather3A_284 = tpu.vector_load_idx %arg5[%get3A_241] : memref<100000xf32, #tpu.memory_space<vmem>>[vector<16xi32>], vector<16xf32>,
        %gather3A_285 = tpu.vector_load_idx %arg5[%get3A_247] : memref<100000xf32, #tpu.memory_space<vmem>>[vector<16xi32>], vector<16xf32>,
        %gather3A_286 = tpu.vector_load_idx %arg5[%get3A_253] : memref<100000xf32, #tpu.memory_space<vmem>>[vector<16xi32>], vector<16xf32>,
        %gather3A_287 = tpu.vector_load_idx %arg5[%get3A_259] : memref<100000xf32, #tpu.memory_space<vmem>>[vector<16xi32>], vector<16xf32>,
        %gather3A_288 = tpu.vector_load_idx %arg5[%get3A_265] : memref<100000xf32, #tpu.memory_space<vmem>>[vector<16xi32>], vector<16xf32>,
        %gather3A_289 = tpu.vector_load_idx %arg5[%get3A_271] : memref<100000xf32, #tpu.memory_space<vmem>>[vector<16xi32>], vector<16xf32>,
        %gather3A_290 = tpu.vector_load_idx %arg5[%get3A_277] : memref<100000xf32, #tpu.memory_space<vmem>>[vector<16xi32>], vector<16xf32>,
        %gather3A_291 = tpu.vector_load_idx %arg5[%get3A_283] : memref<100000xf32, #tpu.memory_space<vmem>>[vector<16xi32>], vector<16xf32>,
        %add3A_292 = arith.constant 0 : i32
        %add3A_293 = arith.addi %mul3A_235, %add3A_292 : i32
        %swap3A_294 = arith.index_cast %add3A_293 : i32 to index
        %swap3A_295 = tpu.vector_load %arg8[%swap3A_294] {strides = array<i32>} : memref<4096xf32, #tpu.memory_space<vmem>>, vector<16xf32>,
        tpu.vector_store %arg8[%swap3A_294], %gather3A_284 {strides = array<i32>} : memref<4096xf32, #tpu.memory_space<vmem>>, vector<16xf32>,
        %add3A_296 = arith.constant 16 : i32
        %add3A_297 = arith.addi %mul3A_235, %add3A_296 : i32
        %swap3A_298 = arith.index_cast %add3A_297 : i32 to index
        %swap3A_299 = tpu.vector_load %arg8[%swap3A_298] {strides = array<i32>} : memref<4096xf32, #tpu.memory_space<vmem>>, vector<16xf32>,
        tpu.vector_store %arg8[%swap3A_298], %gather3A_285 {strides = array<i32>} : memref<4096xf32, #tpu.memory_space<vmem>>, vector<16xf32>,
        %add3A_300 = arith.constant 32 : i32
        %add3A_301 = arith.addi %mul3A_235, %add3A_300 : i32
        %swap3A_302 = arith.index_cast %add3A_301 : i32 to index
        %swap3A_303 = tpu.vector_load %arg8[%swap3A_302] {strides = array<i32>} : memref<4096xf32, #tpu.memory_space<vmem>>, vector<16xf32>,
        tpu.vector_store %arg8[%swap3A_302], %gather3A_286 {strides = array<i32>} : memref<4096xf32, #tpu.memory_space<vmem>>, vector<16xf32>,
        %add3A_304 = arith.constant 48 : i32
        %add3A_305 = arith.addi %mul3A_235, %add3A_304 : i32
        %swap3A_306 = arith.index_cast %add3A_305 : i32 to index
        %swap3A_307 = tpu.vector_load %arg8[%swap3A_306] {strides = array<i32>} : memref<4096xf32, #tpu.memory_space<vmem>>, vector<16xf32>,
        tpu.vector_store %arg8[%swap3A_306], %gather3A_287 {strides = array<i32>} : memref<4096xf32, #tpu.memory_space<vmem>>, vector<16xf32>,
        %add3A_308 = arith.constant 64 : i32
        %add3A_309 = arith.addi %mul3A_235, %add3A_308 : i32
        %swap3A_310 = arith.index_cast %add3A_309 : i32 to index
        %swap3A_311 = tpu.vector_load %arg8[%swap3A_310] {strides = array<i32>} : memref<4096xf32, #tpu.memory_space<vmem>>, vector<16xf32>,
        tpu.vector_store %arg8[%swap3A_310], %gather3A_288 {strides = array<i32>} : memref<4096xf32, #tpu.memory_space<vmem>>, vector<16xf32>,
        %add3A_312 = arith.constant 80 : i32
        %add3A_313 = arith.addi %mul3A_235, %add3A_312 : i32
        %swap3A_314 = arith.index_cast %add3A_313 : i32 to index
        %swap3A_315 = tpu.vector_load %arg8[%swap3A_314] {strides = array<i32>} : memref<4096xf32, #tpu.memory_space<vmem>>, vector<16xf32>,
        tpu.vector_store %arg8[%swap3A_314], %gather3A_289 {strides = array<i32>} : memref<4096xf32, #tpu.memory_space<vmem>>, vector<16xf32>,
        %add3A_316 = arith.constant 96 : i32
        %add3A_317 = arith.addi %mul3A_235, %add3A_316 : i32
        %swap3A_318 = arith.index_cast %add3A_317 : i32 to index
        %swap3A_319 = tpu.vector_load %arg8[%swap3A_318] {strides = array<i32>} : memref<4096xf32, #tpu.memory_space<vmem>>, vector<16xf32>,
        tpu.vector_store %arg8[%swap3A_318], %gather3A_290 {strides = array<i32>} : memref<4096xf32, #tpu.memory_space<vmem>>, vector<16xf32>,
        %add3A_320 = arith.constant 112 : i32
        %add3A_321 = arith.addi %mul3A_235, %add3A_320 : i32
        %swap3A_322 = arith.index_cast %add3A_321 : i32 to index
        %swap3A_323 = tpu.vector_load %arg8[%swap3A_322] {strides = array<i32>} : memref<4096xf32, #tpu.memory_space<vmem>>, vector<16xf32>,
        tpu.vector_store %arg8[%swap3A_322], %gather3A_291 {strides = array<i32>} : memref<4096xf32, #tpu.memory_space<vmem>>, vector<16xf32>,
        %scan3A_324 = arith.constant 0 : i32
        scf.yield %scan3A_324 : i32
      }
      %scan3A_113 = arith.constant 32 : i32
      %dma_start3A_114 = arith.constant 8192 : i32
      %dma_start3A_115 = tpu.memref_slice %arg4[%scan3A_24, %add3A, %dma_start3A_114] : memref<26x32x16384xf32, #tpu.memory_space<hbm>> -> memref<1x1x4096xf32, #tpu.memory_space<hbm>>
      %dma_start3A_116 = tpu.memref_squeeze %dma_start3A_115 : memref<1x1x4096xf32, #tpu.memory_space<hbm>> -> memref<4096xf32, #tpu.memory_space<hbm>>
      %dma_start3A_117 = arith.constant 8192 : i32
      %dma_start3A_118 = tpu.memref_slice %arg4[%scan3A_24, %add3A, %dma_start3A_117] : memref<26x32x16384xf32, #tpu.memory_space<hbm>> -> memref<1x1x4096xf32, #tpu.memory_space<hbm>>
      %dma_start3A_119 = tpu.memref_squeeze %dma_start3A_118 : memref<1x1x4096xf32, #tpu.memory_space<hbm>> -> memref<4096xf32, #tpu.memory_space<hbm>>
      tpu.enqueue_dma source(%arg8 : memref<4096xf32, #tpu.memory_space<vmem>>) target(%dma_start3A_119 : memref<4096xf32, #tpu.memory_space<hbm>>) target_semaphore(%arg13 : memref<!tpu.dma_semaphore, #tpu.memory_space<semaphore_mem>>)
      %dma_wait3A_120 = arith.constant 0 : i32
      %dma_wait3A_121 = arith.constant 0 : i32
      %dma_wait3A_122 = arith.constant 0 : i32
      %dma_wait3A_123 = tpu.memref_slice %arg4[%dma_wait3A_120, %dma_wait3A_121, %dma_wait3A_122] : memref<26x32x16384xf32, #tpu.memory_space<hbm>> -> memref<1x1x4096xf32, #tpu.memory_space<hbm>>
      %dma_wait3A_124 = tpu.memref_squeeze %dma_wait3A_123 : memref<1x1x4096xf32, #tpu.memory_space<hbm>> -> memref<4096xf32, #tpu.memory_space<hbm>>
      %dma_wait3A_125 = arith.constant 0 : i32
      %dma_wait3A_126 = tpu.memref_slice %arg4[%dma_wait3A_120, %dma_wait3A_121, %dma_wait3A_125] : memref<26x32x16384xf32, #tpu.memory_space<hbm>> -> memref<1x1x4096xf32, #tpu.memory_space<hbm>>
      %dma_wait3A_127 = tpu.memref_squeeze %dma_wait3A_126 : memref<1x1x4096xf32, #tpu.memory_space<hbm>> -> memref<4096xf32, #tpu.memory_space<hbm>>
      tpu.wait_dma2 semaphore(%arg14 : memref<!tpu.dma_semaphore, #tpu.memory_space<semaphore_mem>>) src(%arg9 : memref<4096xf32, #tpu.memory_space<vmem>>) dst(%dma_wait3A_127 : memref<4096xf32, #tpu.memory_space<hbm>>)
      %scan3A_128 = arith.constant 0 : i32
      %scan3A_129 = arith.constant 0 : i32
      %scan3A_130 = arith.constant 32 : i32
      %scan3A_131 = arith.addi %scan3A_129, %scan3A_130 : i32
      %scan3A_132 = arith.constant 2 : i32
      %scan3A_133 = scf.for %scan3A_142 = %scan3A_129 to %scan3A_131 step %scan3A_132 iter_args(%scan3A_143 = %scan3A_128) -> (i32)  : i32 {
        %mul3A_144 = arith.constant 128 : i32
        %mul3A_145 = arith.muli %scan3A_142, %mul3A_144 : i32
        %add3A_146 = arith.constant 12288 : i32
        %add3A_147 = arith.addi %add3A_146, %mul3A_145 : i32
        %add3A_148 = arith.constant 0 : i32
        %add3A_149 = arith.addi %add3A_147, %add3A_148 : i32
        %get3A = arith.index_cast %add3A_149 : i32 to index
        %get3A_150 = tpu.vector_load %arg6[%get3A] {strides = array<i32>} : memref<16384xi32, #tpu.memory_space<vmem>>, vector<16xi32>,
        %add3A_151 = arith.constant 12288 : i32
        %add3A_152 = arith.addi %add3A_151, %mul3A_145 : i32
        %add3A_153 = arith.constant 16 : i32
        %add3A_154 = arith.addi %add3A_152, %add3A_153 : i32
        %get3A_155 = arith.index_cast %add3A_154 : i32 to index
        %get3A_156 = tpu.vector_load %arg6[%get3A_155] {strides = array<i32>} : memref<16384xi32, #tpu.memory_space<vmem>>, vector<16xi32>,
        %add3A_157 = arith.constant 12288 : i32
        %add3A_158 = arith.addi %add3A_157, %mul3A_145 : i32
        %add3A_159 = arith.constant 32 : i32
        %add3A_160 = arith.addi %add3A_158, %add3A_159 : i32
        %get3A_161 = arith.index_cast %add3A_160 : i32 to index
        %get3A_162 = tpu.vector_load %arg6[%get3A_161] {strides = array<i32>} : memref<16384xi32, #tpu.memory_space<vmem>>, vector<16xi32>,
        %add3A_163 = arith.constant 12288 : i32
        %add3A_164 = arith.addi %add3A_163, %mul3A_145 : i32
        %add3A_165 = arith.constant 48 : i32
        %add3A_166 = arith.addi %add3A_164, %add3A_165 : i32
        %get3A_167 = arith.index_cast %add3A_166 : i32 to index
        %get3A_168 = tpu.vector_load %arg6[%get3A_167] {strides = array<i32>} : memref<16384xi32, #tpu.memory_space<vmem>>, vector<16xi32>,
        %add3A_169 = arith.constant 12288 : i32
        %add3A_170 = arith.addi %add3A_169, %mul3A_145 : i32
        %add3A_171 = arith.constant 64 : i32
        %add3A_172 = arith.addi %add3A_170, %add3A_171 : i32
        %get3A_173 = arith.index_cast %add3A_172 : i32 to index
        %get3A_174 = tpu.vector_load %arg6[%get3A_173] {strides = array<i32>} : memref<16384xi32, #tpu.memory_space<vmem>>, vector<16xi32>,
        %add3A_175 = arith.constant 12288 : i32
        %add3A_176 = arith.addi %add3A_175, %mul3A_145 : i32
        %add3A_177 = arith.constant 80 : i32
        %add3A_178 = arith.addi %add3A_176, %add3A_177 : i32
        %get3A_179 = arith.index_cast %add3A_178 : i32 to index
        %get3A_180 = tpu.vector_load %arg6[%get3A_179] {strides = array<i32>} : memref<16384xi32, #tpu.memory_space<vmem>>, vector<16xi32>,
        %add3A_181 = arith.constant 12288 : i32
        %add3A_182 = arith.addi %add3A_181, %mul3A_145 : i32
        %add3A_183 = arith.constant 96 : i32
        %add3A_184 = arith.addi %add3A_182, %add3A_183 : i32
        %get3A_185 = arith.index_cast %add3A_184 : i32 to index
        %get3A_186 = tpu.vector_load %arg6[%get3A_185] {strides = array<i32>} : memref<16384xi32, #tpu.memory_space<vmem>>, vector<16xi32>,
        %add3A_187 = arith.constant 12288 : i32
        %add3A_188 = arith.addi %add3A_187, %mul3A_145 : i32
        %add3A_189 = arith.constant 112 : i32
        %add3A_190 = arith.addi %add3A_188, %add3A_189 : i32
        %get3A_191 = arith.index_cast %add3A_190 : i32 to index
        %get3A_192 = tpu.vector_load %arg6[%get3A_191] {strides = array<i32>} : memref<16384xi32, #tpu.memory_space<vmem>>, vector<16xi32>,
        %gather3A = tpu.vector_load_idx %arg5[%get3A_150] : memref<100000xf32, #tpu.memory_space<vmem>>[vector<16xi32>], vector<16xf32>,
        %gather3A_193 = tpu.vector_load_idx %arg5[%get3A_156] : memref<100000xf32, #tpu.memory_space<vmem>>[vector<16xi32>], vector<16xf32>,
        %gather3A_194 = tpu.vector_load_idx %arg5[%get3A_162] : memref<100000xf32, #tpu.memory_space<vmem>>[vector<16xi32>], vector<16xf32>,
        %gather3A_195 = tpu.vector_load_idx %arg5[%get3A_168] : memref<100000xf32, #tpu.memory_space<vmem>>[vector<16xi32>], vector<16xf32>,
        %gather3A_196 = tpu.vector_load_idx %arg5[%get3A_174] : memref<100000xf32, #tpu.memory_space<vmem>>[vector<16xi32>], vector<16xf32>,
        %gather3A_197 = tpu.vector_load_idx %arg5[%get3A_180] : memref<100000xf32, #tpu.memory_space<vmem>>[vector<16xi32>], vector<16xf32>,
        %gather3A_198 = tpu.vector_load_idx %arg5[%get3A_186] : memref<100000xf32, #tpu.memory_space<vmem>>[vector<16xi32>], vector<16xf32>,
        %gather3A_199 = tpu.vector_load_idx %arg5[%get3A_192] : memref<100000xf32, #tpu.memory_space<vmem>>[vector<16xi32>], vector<16xf32>,
        %add3A_200 = arith.constant 0 : i32
        %add3A_201 = arith.addi %mul3A_145, %add3A_200 : i32
        %swap3A = arith.index_cast %add3A_201 : i32 to index
        %swap3A_202 = tpu.vector_load %arg9[%swap3A] {strides = array<i32>} : memref<4096xf32, #tpu.memory_space<vmem>>, vector<16xf32>,
        tpu.vector_store %arg9[%swap3A], %gather3A {strides = array<i32>} : memref<4096xf32, #tpu.memory_space<vmem>>, vector<16xf32>,
        %add3A_203 = arith.constant 16 : i32
        %add3A_204 = arith.addi %mul3A_145, %add3A_203 : i32
        %swap3A_205 = arith.index_cast %add3A_204 : i32 to index
        %swap3A_206 = tpu.vector_load %arg9[%swap3A_205] {strides = array<i32>} : memref<4096xf32, #tpu.memory_space<vmem>>, vector<16xf32>,
        tpu.vector_store %arg9[%swap3A_205], %gather3A_193 {strides = array<i32>} : memref<4096xf32, #tpu.memory_space<vmem>>, vector<16xf32>,
        %add3A_207 = arith.constant 32 : i32
        %add3A_208 = arith.addi %mul3A_145, %add3A_207 : i32
        %swap3A_209 = arith.index_cast %add3A_208 : i32 to index
        %swap3A_210 = tpu.vector_load %arg9[%swap3A_209] {strides = array<i32>} : memref<4096xf32, #tpu.memory_space<vmem>>, vector<16xf32>,
        tpu.vector_store %arg9[%swap3A_209], %gather3A_194 {strides = array<i32>} : memref<4096xf32, #tpu.memory_space<vmem>>, vector<16xf32>,
        %add3A_211 = arith.constant 48 : i32
        %add3A_212 = arith.addi %mul3A_145, %add3A_211 : i32
        %swap3A_213 = arith.index_cast %add3A_212 : i32 to index
        %swap3A_214 = tpu.vector_load %arg9[%swap3A_213] {strides = array<i32>} : memref<4096xf32, #tpu.memory_space<vmem>>, vector<16xf32>,
        tpu.vector_store %arg9[%swap3A_213], %gather3A_195 {strides = array<i32>} : memref<4096xf32, #tpu.memory_space<vmem>>, vector<16xf32>,
        %add3A_215 = arith.constant 64 : i32
        %add3A_216 = arith.addi %mul3A_145, %add3A_215 : i32
        %swap3A_217 = arith.index_cast %add3A_216 : i32 to index
        %swap3A_218 = tpu.vector_load %arg9[%swap3A_217] {strides = array<i32>} : memref<4096xf32, #tpu.memory_space<vmem>>, vector<16xf32>,
        tpu.vector_store %arg9[%swap3A_217], %gather3A_196 {strides = array<i32>} : memref<4096xf32, #tpu.memory_space<vmem>>, vector<16xf32>,
        %add3A_219 = arith.constant 80 : i32
        %add3A_220 = arith.addi %mul3A_145, %add3A_219 : i32
        %swap3A_221 = arith.index_cast %add3A_220 : i32 to index
        %swap3A_222 = tpu.vector_load %arg9[%swap3A_221] {strides = array<i32>} : memref<4096xf32, #tpu.memory_space<vmem>>, vector<16xf32>,
        tpu.vector_store %arg9[%swap3A_221], %gather3A_197 {strides = array<i32>} : memref<4096xf32, #tpu.memory_space<vmem>>, vector<16xf32>,
        %add3A_223 = arith.constant 96 : i32
        %add3A_224 = arith.addi %mul3A_145, %add3A_223 : i32
        %swap3A_225 = arith.index_cast %add3A_224 : i32 to index
        %swap3A_226 = tpu.vector_load %arg9[%swap3A_225] {strides = array<i32>} : memref<4096xf32, #tpu.memory_space<vmem>>, vector<16xf32>,
        tpu.vector_store %arg9[%swap3A_225], %gather3A_198 {strides = array<i32>} : memref<4096xf32, #tpu.memory_space<vmem>>, vector<16xf32>,
        %add3A_227 = arith.constant 112 : i32
        %add3A_228 = arith.addi %mul3A_145, %add3A_227 : i32
        %swap3A_229 = arith.index_cast %add3A_228 : i32 to index
        %swap3A_230 = tpu.vector_load %arg9[%swap3A_229] {strides = array<i32>} : memref<4096xf32, #tpu.memory_space<vmem>>, vector<16xf32>,
        tpu.vector_store %arg9[%swap3A_229], %gather3A_199 {strides = array<i32>} : memref<4096xf32, #tpu.memory_space<vmem>>, vector<16xf32>,
        %scan3A_231 = arith.constant 0 : i32
        %scan3A_232 = arith.constant 1 : i32
        %scan3A_233 = arith.addi %scan3A_142, %scan3A_232 : i32
        %mul3A_234 = arith.constant 128 : i32
        %mul3A_235 = arith.muli %scan3A_233, %mul3A_234 : i32
        %add3A_236 = arith.constant 12288 : i32
        %add3A_237 = arith.addi %add3A_236, %mul3A_235 : i32
        %add3A_238 = arith.constant 0 : i32
        %add3A_239 = arith.addi %add3A_237, %add3A_238 : i32
        %get3A_240 = arith.index_cast %add3A_239 : i32 to index
        %get3A_241 = tpu.vector_load %arg6[%get3A_240] {strides = array<i32>} : memref<16384xi32, #tpu.memory_space<vmem>>, vector<16xi32>,
        %add3A_242 = arith.constant 12288 : i32
        %add3A_243 = arith.addi %add3A_242, %mul3A_235 : i32
        %add3A_244 = arith.constant 16 : i32
        %add3A_245 = arith.addi %add3A_243, %add3A_244 : i32
        %get3A_246 = arith.index_cast %add3A_245 : i32 to index
        %get3A_247 = tpu.vector_load %arg6[%get3A_246] {strides = array<i32>} : memref<16384xi32, #tpu.memory_space<vmem>>, vector<16xi32>,
        %add3A_248 = arith.constant 12288 : i32
        %add3A_249 = arith.addi %add3A_248, %mul3A_235 : i32
        %add3A_250 = arith.constant 32 : i32
        %add3A_251 = arith.addi %add3A_249, %add3A_250 : i32
        %get3A_252 = arith.index_cast %add3A_251 : i32 to index
        %get3A_253 = tpu.vector_load %arg6[%get3A_252] {strides = array<i32>} : memref<16384xi32, #tpu.memory_space<vmem>>, vector<16xi32>,
        %add3A_254 = arith.constant 12288 : i32
        %add3A_255 = arith.addi %add3A_254, %mul3A_235 : i32
        %add3A_256 = arith.constant 48 : i32
        %add3A_257 = arith.addi %add3A_255, %add3A_256 : i32
        %get3A_258 = arith.index_cast %add3A_257 : i32 to index
        %get3A_259 = tpu.vector_load %arg6[%get3A_258] {strides = array<i32>} : memref<16384xi32, #tpu.memory_space<vmem>>, vector<16xi32>,
        %add3A_260 = arith.constant 12288 : i32
        %add3A_261 = arith.addi %add3A_260, %mul3A_235 : i32
        %add3A_262 = arith.constant 64 : i32
        %add3A_263 = arith.addi %add3A_261, %add3A_262 : i32
        %get3A_264 = arith.index_cast %add3A_263 : i32 to index
        %get3A_265 = tpu.vector_load %arg6[%get3A_264] {strides = array<i32>} : memref<16384xi32, #tpu.memory_space<vmem>>, vector<16xi32>,
        %add3A_266 = arith.constant 12288 : i32
        %add3A_267 = arith.addi %add3A_266, %mul3A_235 : i32
        %add3A_268 = arith.constant 80 : i32
        %add3A_269 = arith.addi %add3A_267, %add3A_268 : i32
        %get3A_270 = arith.index_cast %add3A_269 : i32 to index
        %get3A_271 = tpu.vector_load %arg6[%get3A_270] {strides = array<i32>} : memref<16384xi32, #tpu.memory_space<vmem>>, vector<16xi32>,
        %add3A_272 = arith.constant 12288 : i32
        %add3A_273 = arith.addi %add3A_272, %mul3A_235 : i32
        %add3A_274 = arith.constant 96 : i32
        %add3A_275 = arith.addi %add3A_273, %add3A_274 : i32
        %get3A_276 = arith.index_cast %add3A_275 : i32 to index
        %get3A_277 = tpu.vector_load %arg6[%get3A_276] {strides = array<i32>} : memref<16384xi32, #tpu.memory_space<vmem>>, vector<16xi32>,
        %add3A_278 = arith.constant 12288 : i32
        %add3A_279 = arith.addi %add3A_278, %mul3A_235 : i32
        %add3A_280 = arith.constant 112 : i32
        %add3A_281 = arith.addi %add3A_279, %add3A_280 : i32
        %get3A_282 = arith.index_cast %add3A_281 : i32 to index
        %get3A_283 = tpu.vector_load %arg6[%get3A_282] {strides = array<i32>} : memref<16384xi32, #tpu.memory_space<vmem>>, vector<16xi32>,
        %gather3A_284 = tpu.vector_load_idx %arg5[%get3A_241] : memref<100000xf32, #tpu.memory_space<vmem>>[vector<16xi32>], vector<16xf32>,
        %gather3A_285 = tpu.vector_load_idx %arg5[%get3A_247] : memref<100000xf32, #tpu.memory_space<vmem>>[vector<16xi32>], vector<16xf32>,
        %gather3A_286 = tpu.vector_load_idx %arg5[%get3A_253] : memref<100000xf32, #tpu.memory_space<vmem>>[vector<16xi32>], vector<16xf32>,
        %gather3A_287 = tpu.vector_load_idx %arg5[%get3A_259] : memref<100000xf32, #tpu.memory_space<vmem>>[vector<16xi32>], vector<16xf32>,
        %gather3A_288 = tpu.vector_load_idx %arg5[%get3A_265] : memref<100000xf32, #tpu.memory_space<vmem>>[vector<16xi32>], vector<16xf32>,
        %gather3A_289 = tpu.vector_load_idx %arg5[%get3A_271] : memref<100000xf32, #tpu.memory_space<vmem>>[vector<16xi32>], vector<16xf32>,
        %gather3A_290 = tpu.vector_load_idx %arg5[%get3A_277] : memref<100000xf32, #tpu.memory_space<vmem>>[vector<16xi32>], vector<16xf32>,
        %gather3A_291 = tpu.vector_load_idx %arg5[%get3A_283] : memref<100000xf32, #tpu.memory_space<vmem>>[vector<16xi32>], vector<16xf32>,
        %add3A_292 = arith.constant 0 : i32
        %add3A_293 = arith.addi %mul3A_235, %add3A_292 : i32
        %swap3A_294 = arith.index_cast %add3A_293 : i32 to index
        %swap3A_295 = tpu.vector_load %arg9[%swap3A_294] {strides = array<i32>} : memref<4096xf32, #tpu.memory_space<vmem>>, vector<16xf32>,
        tpu.vector_store %arg9[%swap3A_294], %gather3A_284 {strides = array<i32>} : memref<4096xf32, #tpu.memory_space<vmem>>, vector<16xf32>,
        %add3A_296 = arith.constant 16 : i32
        %add3A_297 = arith.addi %mul3A_235, %add3A_296 : i32
        %swap3A_298 = arith.index_cast %add3A_297 : i32 to index
        %swap3A_299 = tpu.vector_load %arg9[%swap3A_298] {strides = array<i32>} : memref<4096xf32, #tpu.memory_space<vmem>>, vector<16xf32>,
        tpu.vector_store %arg9[%swap3A_298], %gather3A_285 {strides = array<i32>} : memref<4096xf32, #tpu.memory_space<vmem>>, vector<16xf32>,
        %add3A_300 = arith.constant 32 : i32
        %add3A_301 = arith.addi %mul3A_235, %add3A_300 : i32
        %swap3A_302 = arith.index_cast %add3A_301 : i32 to index
        %swap3A_303 = tpu.vector_load %arg9[%swap3A_302] {strides = array<i32>} : memref<4096xf32, #tpu.memory_space<vmem>>, vector<16xf32>,
        tpu.vector_store %arg9[%swap3A_302], %gather3A_286 {strides = array<i32>} : memref<4096xf32, #tpu.memory_space<vmem>>, vector<16xf32>,
        %add3A_304 = arith.constant 48 : i32
        %add3A_305 = arith.addi %mul3A_235, %add3A_304 : i32
        %swap3A_306 = arith.index_cast %add3A_305 : i32 to index
        %swap3A_307 = tpu.vector_load %arg9[%swap3A_306] {strides = array<i32>} : memref<4096xf32, #tpu.memory_space<vmem>>, vector<16xf32>,
        tpu.vector_store %arg9[%swap3A_306], %gather3A_287 {strides = array<i32>} : memref<4096xf32, #tpu.memory_space<vmem>>, vector<16xf32>,
        %add3A_308 = arith.constant 64 : i32
        %add3A_309 = arith.addi %mul3A_235, %add3A_308 : i32
        %swap3A_310 = arith.index_cast %add3A_309 : i32 to index
        %swap3A_311 = tpu.vector_load %arg9[%swap3A_310] {strides = array<i32>} : memref<4096xf32, #tpu.memory_space<vmem>>, vector<16xf32>,
        tpu.vector_store %arg9[%swap3A_310], %gather3A_288 {strides = array<i32>} : memref<4096xf32, #tpu.memory_space<vmem>>, vector<16xf32>,
        %add3A_312 = arith.constant 80 : i32
        %add3A_313 = arith.addi %mul3A_235, %add3A_312 : i32
        %swap3A_314 = arith.index_cast %add3A_313 : i32 to index
        %swap3A_315 = tpu.vector_load %arg9[%swap3A_314] {strides = array<i32>} : memref<4096xf32, #tpu.memory_space<vmem>>, vector<16xf32>,
        tpu.vector_store %arg9[%swap3A_314], %gather3A_289 {strides = array<i32>} : memref<4096xf32, #tpu.memory_space<vmem>>, vector<16xf32>,
        %add3A_316 = arith.constant 96 : i32
        %add3A_317 = arith.addi %mul3A_235, %add3A_316 : i32
        %swap3A_318 = arith.index_cast %add3A_317 : i32 to index
        %swap3A_319 = tpu.vector_load %arg9[%swap3A_318] {strides = array<i32>} : memref<4096xf32, #tpu.memory_space<vmem>>, vector<16xf32>,
        tpu.vector_store %arg9[%swap3A_318], %gather3A_290 {strides = array<i32>} : memref<4096xf32, #tpu.memory_space<vmem>>, vector<16xf32>,
        %add3A_320 = arith.constant 112 : i32
        %add3A_321 = arith.addi %mul3A_235, %add3A_320 : i32
        %swap3A_322 = arith.index_cast %add3A_321 : i32 to index
        %swap3A_323 = tpu.vector_load %arg9[%swap3A_322] {strides = array<i32>} : memref<4096xf32, #tpu.memory_space<vmem>>, vector<16xf32>,
        tpu.vector_store %arg9[%swap3A_322], %gather3A_291 {strides = array<i32>} : memref<4096xf32, #tpu.memory_space<vmem>>, vector<16xf32>,
        %scan3A_324 = arith.constant 0 : i32
        scf.yield %scan3A_324 : i32
      }
      %scan3A_134 = arith.constant 32 : i32
      %dma_start3A_135 = arith.constant 12288 : i32
      %dma_start3A_136 = tpu.memref_slice %arg4[%scan3A_24, %add3A, %dma_start3A_135] : memref<26x32x16384xf32, #tpu.memory_space<hbm>> -> memref<1x1x4096xf32, #tpu.memory_space<hbm>>
      %dma_start3A_137 = tpu.memref_squeeze %dma_start3A_136 : memref<1x1x4096xf32, #tpu.memory_space<hbm>> -> memref<4096xf32, #tpu.memory_space<hbm>>
      %dma_start3A_138 = arith.constant 12288 : i32
      %dma_start3A_139 = tpu.memref_slice %arg4[%scan3A_24, %add3A, %dma_start3A_138] : memref<26x32x16384xf32, #tpu.memory_space<hbm>> -> memref<1x1x4096xf32, #tpu.memory_space<hbm>>
      %dma_start3A_140 = tpu.memref_squeeze %dma_start3A_139 : memref<1x1x4096xf32, #tpu.memory_space<hbm>> -> memref<4096xf32, #tpu.memory_space<hbm>>
      tpu.enqueue_dma source(%arg9 : memref<4096xf32, #tpu.memory_space<vmem>>) target(%dma_start3A_140 : memref<4096xf32, #tpu.memory_space<hbm>>) target_semaphore(%arg14 : memref<!tpu.dma_semaphore, #tpu.memory_space<semaphore_mem>>)
      %scan3A_141 = arith.constant 0 : i32
      scf.yield %scan3A_141 : i32
    }
    %scan3A_8 = arith.constant 26 : i32
    %dma_wait3A = arith.constant 0 : i32
    %dma_wait3A_9 = arith.constant 0 : i32
    %dma_wait3A_10 = arith.constant 0 : i32
    %dma_wait3A_11 = tpu.memref_slice %arg4[%dma_wait3A, %dma_wait3A_9, %dma_wait3A_10] : memref<26x32x16384xf32, #tpu.memory_space<hbm>> -> memref<1x1x4096xf32, #tpu.memory_space<hbm>>
    %dma_wait3A_12 = tpu.memref_squeeze %dma_wait3A_11 : memref<1x1x4096xf32, #tpu.memory_space<hbm>> -> memref<4096xf32, #tpu.memory_space<hbm>>
    %dma_wait3A_13 = arith.constant 0 : i32
    %dma_wait3A_14 = tpu.memref_slice %arg4[%dma_wait3A, %dma_wait3A_9, %dma_wait3A_13] : memref<26x32x16384xf32, #tpu.memory_space<hbm>> -> memref<1x1x4096xf32, #tpu.memory_space<hbm>>
    %dma_wait3A_15 = tpu.memref_squeeze %dma_wait3A_14 : memref<1x1x4096xf32, #tpu.memory_space<hbm>> -> memref<4096xf32, #tpu.memory_space<hbm>>
    tpu.wait_dma2 semaphore(%arg13 : memref<!tpu.dma_semaphore, #tpu.memory_space<semaphore_mem>>) src(%arg8 : memref<4096xf32, #tpu.memory_space<vmem>>) dst(%dma_wait3A_15 : memref<4096xf32, #tpu.memory_space<hbm>>)
    %dma_wait3A_16 = arith.constant 0 : i32
    %dma_wait3A_17 = arith.constant 0 : i32
    %dma_wait3A_18 = arith.constant 0 : i32
    %dma_wait3A_19 = tpu.memref_slice %arg4[%dma_wait3A_16, %dma_wait3A_17, %dma_wait3A_18] : memref<26x32x16384xf32, #tpu.memory_space<hbm>> -> memref<1x1x4096xf32, #tpu.memory_space<hbm>>
    %dma_wait3A_20 = tpu.memref_squeeze %dma_wait3A_19 : memref<1x1x4096xf32, #tpu.memory_space<hbm>> -> memref<4096xf32, #tpu.memory_space<hbm>>
    %dma_wait3A_21 = arith.constant 0 : i32
    %dma_wait3A_22 = tpu.memref_slice %arg4[%dma_wait3A_16, %dma_wait3A_17, %dma_wait3A_21] : memref<26x32x16384xf32, #tpu.memory_space<hbm>> -> memref<1x1x4096xf32, #tpu.memory_space<hbm>>
    %dma_wait3A_23 = tpu.memref_squeeze %dma_wait3A_22 : memref<1x1x4096xf32, #tpu.memory_space<hbm>> -> memref<4096xf32, #tpu.memory_space<hbm>>
    tpu.wait_dma2 semaphore(%arg14 : memref<!tpu.dma_semaphore, #tpu.memory_space<semaphore_mem>>) src(%arg9 : memref<4096xf32, #tpu.memory_space<vmem>>) dst(%dma_wait3A_23 : memref<4096xf32, #tpu.memory_space<hbm>>)
    return
  }
}

</mosaic_0001>

<sc_bundles>
// kernel: _embed.3.cloned.1.call-start
scs
__scs_entry_jumppad:
0x0: {  	(pc) =	sbr.rel $0x88, $3  }
0x1: {  	(tag) =	ssettag $0x0;
	lr =	simm.s32 $0x1  }
0x2: {  	[smem:$0x3F9F] =	sst lr;
	_ =	strace $0xD0000000  }
0x3: {  	_ = 	snop  }
0x4: {  	_ = 	snop  }
0x5: {  	_ = 	snop  }
0x6: {  	_ = 	snop  }
0x7: {  	_ = 	snop  }
__scs_overlays_trampoline_lowered:
0x8: {  	[smem:$0x3FAE] =	sst s0  }
0x9: {  	[smem:$0x3FAF] =	sst s1  }
0xa: {  	[smem:$0x3FB0] =	sst s2  }
0xb: {  	[smem:$0x3FB1] =	sst s3  }
0xc: {  	[smem:$0x3FB2] =	sst s4  }
0xd: {  	[smem:$0x3FB3] =	sst s5  }
0xe: {  	[smem:$0x3FB4] =	sst s6  }
0xf: {  	[smem:$0x3FB5] =	sst s7  }
0x10: {  	[smem:$0x3FB6] =	sst s8  }
0x11: {  	[smem:$0x3FB7] =	sst s9;
	s0 =	simm.s32 @!p0 $0x0  }
0x12: {  	s1 =	sld [smem:$0x3F9D];
	s0 =	simm.s32 @p0 $0x1  }
0x13: {  	[smem:$0x3FB8] =	sst s0;
	s0 =	simm.s32 @!p1 $0x0  }
0x14: {  	s2 =	sld [smem:$0x3F9C];
	s0 =	simm.s32 @p1 $0x1  }
0x15: {  	[smem:$0x3FB9] =	sst s0;
	s0 =	simm.s32 @!p2 $0x0  }
0x16: {  	s3 =	sld [smem:$0x3FDB];
	s0 =	simm.s32 @p2 $0x1  }
0x17: {  	s4 =	simm.s32 $0x1BF5;
	[smem:$0x3FBB] =	sst s0  }
0x18: {  	s0 =	sld [smem:$0x3F9E];
	_ =	swait.ge [sflag:s4], $0x0  }
0x19: {  	s7 =	sld [smem:$0x3F9F]  }
0x1a: {  	s8 =	sadd.s32 $0xFFFFE003, lr  }
0x1b: {  	s9 =	sadd.s32 $0xFFFFFEF7, lr;
	s5 =	simm.s32 $0xFFFFFFFF;
	p2 =	slt.u32 s8, $0xFFFFF086  }
0x1c: {  	p1 =	slt.u32 s9, $0xF7A;
	s5 =	simm.s32 @!p2 $0x0  }
0x1d: {  	s5 =	simm.s32 @p1 $0x1;
	p0 =	seq.s32 s7, s2  }
0x1e: {  	s7 =	smul.u32 @!p0 $0xF7A, s2;
	p2 =	seq.s32 @!p0 s5, $0x0  }
0x1f: {  	s9 =	smul.u32 $0xF7A, s1;
	s8 =	simm.s32 @!p0 $0x1BF5;
	p2 =	por !p2, p0  }
0x20: {  	[sflag:s8] =	ssyncset.s32 @!p0 $0xFFFFF086;
	s6 =	sadd.s32 @!p0 s3, s7;
	s7 =	simm.s32 @!p0 $0x108  }
0x21: {  	s3 =	sadd.s32 s3, s9;
	s6 =	sadd.s32 @!p0 $0x88, s6;
	s7 =	simm.s32 @p2 $0x1082  }
0x22: {  	[simem:s7], [sflag:s8] =	dma.local @!p0 [hbm:s6], $0xF7A  }
0x23: {  	s9 =	sor.u32 $0xD0000000, s2;
	s6 =	simm.s32 $0x108;
	_ =	swait.ge @!p0 [sflag:s8], $0x0  }
0x24: {  	s3 =	sadd.s32 $0x88, s3;
	s6 =	simm.s32 @!p1 $0x1082;
	[sflag:s4] =	ssyncset.s32 $0xFFFFF086  }
0x25: {  	[simem:s6], [sflag:s4] =	dma.local [hbm:s3], $0xF7A  }
0x26: {  	[smem:$0x3F9F] =	sst s1;
	(tag) =	ssettag s2;
	_ =	strace s9  }
0x27: {  	s1 =	sld [smem:$0x3FAF]  }
0x28: {  	s2 =	sld [smem:$0x3FB0]  }
0x29: {  	s4 =	sld [smem:$0x3FB2]  }
0x2a: {  	p0 =	seq.s32 s5, $0x0;
	s5 =	sld [smem:$0x3FB3]  }
0x2b: {  	s6 =	sld [smem:$0x3FB4]  }
0x2c: {  	s7 =	sld [smem:$0x3FB5]  }
0x2d: {  	s3 =	simm.s32 $0x108;
	s8 =	sld [smem:$0x3FB6]  }
0x2e: {  	s3 =	simm.s32 @!p0 $0x1082;
	s9 =	sld [smem:$0x3FB7]  }
0x2f: {  	lr =	sadd.s32 s0, s3;
	s0 =	sld [smem:$0x3FAE]  }
0x30: {  	s3 =	sld [smem:$0x3FB1]  }
0x31: {  	[smem:$0x3FBA] =	sst s10  }
0x32: {  	s10 =	sld [smem:$0x3FB8];
	_ =	sdelay $0x3  }
0x33: {  	p0 =	seq.s32 s10, $0x1;
	s10 =	sld [smem:$0x3FBA];
	_ =	sdelay $0x3  }
0x34: {  	[smem:$0x3FBA] =	sst s10  }
0x35: {  	s10 =	sld [smem:$0x3FB9];
	_ =	sdelay $0x3  }
0x36: {  	p1 =	seq.s32 s10, $0x1;
	s10 =	sld [smem:$0x3FBA];
	_ =	sdelay $0x3  }
0x37: {  	[smem:$0x3FBA] =	sst s10  }
0x38: {  	s10 =	sld [smem:$0x3FBB]  }
0x39: {  	_ = 	snop;
	(pc) =	sbr.ind lr, $3  }
0x3a: {  	_ = 	snop  }
0x3b: {  	_ = 	snop  }
0x3c: {  	p2 =	seq.s32 s10, $0x1;
	s10 =	sld [smem:$0x3FBA]  }
0x3d: {  	_ =	shalt  }
0x3e: {  	_ =	shalt  }
0x3f: {  	_ =	shalt  }
0x40: {  	_ =	shalt  }
0x41: {  	_ =	shalt  }
0x42: {  	_ =	shalt  }
0x43: {  	_ =	shalt  }
0x44: {  	_ =	shalt  }
0x45: {  	_ =	shalt  }
0x46: {  	_ =	shalt  }
0x47: {  	_ =	shalt  }
0x48: {  	_ =	shalt  }
0x49: {  	_ =	shalt  }
0x4a: {  	_ =	shalt  }
0x4b: {  	_ =	shalt  }
0x4c: {  	_ =	shalt  }
0x4d: {  	_ =	shalt  }
0x4e: {  	_ =	shalt  }
0x4f: {  	_ =	shalt  }
0x50: {  	_ =	shalt  }
0x51: {  	_ =	shalt  }
0x52: {  	_ =	shalt  }
0x53: {  	_ =	shalt  }
0x54: {  	_ =	shalt  }
0x55: {  	_ =	shalt  }
0x56: {  	_ =	shalt  }
0x57: {  	_ =	shalt  }
0x58: {  	_ =	shalt  }
0x59: {  	_ =	shalt  }
0x5a: {  	_ =	shalt  }
0x5b: {  	_ =	shalt  }
0x5c: {  	_ =	shalt  }
0x5d: {  	_ =	shalt  }
0x5e: {  	_ =	shalt  }
0x5f: {  	_ =	shalt  }
0x60: {  	_ =	shalt  }
0x61: {  	_ =	shalt  }
0x62: {  	_ =	shalt  }
0x63: {  	_ =	shalt  }
0x64: {  	_ =	shalt  }
0x65: {  	_ =	shalt  }
0x66: {  	_ =	shalt  }
0x67: {  	_ =	shalt  }
0x68: {  	_ =	shalt  }
0x69: {  	_ =	shalt  }
0x6a: {  	_ =	shalt  }
0x6b: {  	_ =	shalt  }
0x6c: {  	_ =	shalt  }
0x6d: {  	_ =	shalt  }
0x6e: {  	_ =	shalt  }
0x6f: {  	_ =	shalt  }
0x70: {  	_ =	shalt  }
0x71: {  	_ =	shalt  }
0x72: {  	_ =	shalt  }
0x73: {  	_ =	shalt  }
0x74: {  	_ =	shalt  }
0x75: {  	_ =	shalt  }
0x76: {  	_ =	shalt  }
0x77: {  	_ =	shalt  }
0x78: {  	_ =	shalt  }
0x79: {  	_ =	shalt  }
0x7a: {  	_ =	shalt  }
0x7b: {  	_ =	shalt  }
0x7c: {  	_ =	shalt  }
0x7d: {  	_ =	shalt  }
0x7e: {  	_ =	shalt  }
0x7f: {  	_ =	shalt  }
0x80: {  	_ =	shalt  }
0x81: {  	_ =	shalt  }
0x82: {  	_ =	shalt  }
0x83: {  	_ =	shalt  }
0x84: {  	_ =	shalt  }
0x85: {  	_ =	shalt  }
0x86: {  	_ =	shalt  }
0x87: {  	_ =	shalt  }
.Lfunc_end0:
.L_simem_size_0:
called_computation_lowered:
.L_overlay_start_0:
0x88: {  	s2 =	sld [smem:$0x3FD9]  }
0x89: {  	s3 =	sld [smem:$0x3FFE];
	_ =	sdelay $0x1  }
0x8a: {  	s1 =	srdreg.scid  }
0x8b: {  	s0 =	sand.u32 $0x1, s1  }
0x8c: {  	s18 =	sshll.u32 s0, $0xA;
	s2 =	sadd.s32 s3, s2  }
0x8d: {  	s2 =	sadd.s32 s2, s18  }
0x8e: {  	[smem:$0x3FC6] =	sst s2  }
0x8f: {  	_ = 	snop  }
0x90: {  	s2 =	sld [smem:$0x3FC9]  }
0x91: {  	s19 =	sld [smem:$0x3FC8]  }
0x92: {  	s4 =	sld [smem:$0x3FD0];
	(tm) =	ssettm $0x1  }
0x93: {  	s5 =	sld [smem:$0x3FFB];
	_ =	sdelay $0x3  }
0x94: {  	_ =	strace s5  }
0x95: {  	s5 =	sld [smem:$0x3FFC];
	_ =	sdelay $0x3  }
0x96: {  	_ =	strace s5  }
0x97: {  	s5 =	sld [smem:$0x3FFD];
	_ =	sdelay $0x3  }
0x98: {  	_ =	strace s5  }
0x99: {  	_ =	strace $0x8FFFFFFF  }
0x9a: {  	s20 =	sld [smem:$0x3FDB];
	_ =	sdelay $0x1  }
0x9b: {  	s6 =	simm.s32 $_scs_section_size  }
0x9c: {  	s7 =	simm.s32 $_size__tile_overlayer_lowered;
	s8 =	simm.s32 $_tile_overlayer_lowered  }
0x9d: {  	s23 =	simm.s32 $0x1BFF;
	s22 =	sshll.u32 s8, $0x1;
	s5 =	sadd.s32 s6, s20  }
0x9e: {  	s9 =	simm.s32 $0x0;
	s21 =	sshll.u32 s7, $0x1;
	s7 =	sadd.s32 s22, s5  }
0x9f: {  	[timem:s9], [sflag:s23] =	dma.local [hbm:s7], s21  }
0xa0: {  	_ =	swait.ge [sflag:s23], s21  }
0xa1: {  	s6 =	ssub.s32 $0x0, s21;
	[sflag:s23] =	ssyncset.done $0x0  }
0xa2: {  	[sflag:s23] =	ssyncadd.s32 s6;
	_ =	sdelay $0x1  }
0xa3: {  	s24 =	simm.s32 $0x1B8B  }
0xa4: {  	_ =	swait.ge [sflag:s24], $0x1  }
0xa5: {  	[sflag:s24] =	ssyncset.done $0x0  }
0xa6: {  	s25 =	simm.s32 $0x1B8E;
	[sflag:s24] =	ssyncadd.s32 $0xFFFFFFFF  }
0xa7: {  	s26 =	simm.s32 $execute0_lowered;
	[smem:$0x3FD2] =	sst s25  }
0xa8: {  	s6 =	sshll.u32 s26, $0x1;
	_ =	strace $0x80000046;
	[dreg:$0x1] =	wrdreg $0xFFFFFFFF  }
0xa9: {  	s28 =	simm.s32 $_size_execute0_lowered;
	s5 =	sadd.s32 s5, s6;
	[dreg:$0x0] =	wrdreg $0x0  }
0xaa: {  	s6 =	sshll.u32 s28, $0x1;
	[dreg:$0x2] =	wrdreg s5  }
0xab: {  	[dreg:$0x3] =	wrdreg s6  }
0xac: {  	[dreg:$0x4] =	wrdreg $0xC0  }
0xad: {  	_ =	task [dreg:s9], $0x5FFFF  }
0xae: {  	[dreg:$0x1] =	wrdreg $0xFFFFFFFF  }
0xaf: {  	[dreg:$0x0] =	wrdreg $0x60  }
0xb0: {  	[dreg:$0x2] =	wrdreg s2  }
0xb1: {  	[dreg:$0x3] =	wrdreg s19  }
0xb2: {  	[dreg:$0x4] =	wrdreg s4  }
0xb3: {  	[dreg:$0x5] =	wrdreg $0x1C7000  }
0xb4: {  	[dreg:$0x6] =	wrdreg $0x9  }
0xb5: {  	_ =	task.clear_ibuf [dreg:s9], $0x7FFFF;
	_ =	strace $0x90000046  }
0xb6: {  	s29 =	simm.s32 $0x9;
	_ =	strace $0x80000048  }
0xb7: {  	_ =	swait.ge [sflag:s29], $0x1  }
0xb8: {  	[sflag:s29] =	ssyncadd.s32 $0xFFFFFFFF  }
0xb9: {  	_ =	strace $0x90000048  }
0xba: {  	_ =	sfence  }
0xbb: {  	s30 =	sld [smem:$0x0];
	_ =	sdelay $0x2  }
0xbc: {  	s31 =	sshll.u32 s1, $0xD;
	s1 =	sshrl.u32 s1, $0x2  }
0xbd: {  	s3 =	sand.u32 $0x4000, s31;
	s1 =	sadd.s32 s1, s30  }
0xbe: {  	s0 =	sor.u32 s3, s0;
	s1 =	sshll.u32 s1, $0x11  }
0xbf: {  	s0 =	sor.u32 s1, s0  }
0xc0: {  	s0 =	sadd.s32 $0x8F2B, s0  }
0xc1: {  	[sflag:s0] =	ssyncadd.remote.s32 $0x1  }
0xc2: {  	_ =	sfence.sel $0xFFFF  }
0xc3: {  	[dreg:$0x0] =	wrdreg $0xFFFFFFFF;
	(pc) =	sbr.abs _section_cstart, $3  }
0xc4: {  	[dreg:$0x1] =	wrdreg $0xFFFFFFFF  }
0xc5: {  	_ =	task.clear_ibuf [dreg:s9], $0x2FFFF;
	_ =	strace $0x9FFFFFFF  }
0xc6: {  	(tm) =	ssettm $0x7FFFFFFF  }
0xc7: {  	_ =	shalt  }
tec
execute0_lowered:
.L_overlay_start_1:
0x0: {  	(tag) =	ssettag $0x1  }
0x1: {  	s1 =	rddreg [dreg:$0x0]  }
0x2: {  	s2 =	rddreg [dreg:$0x1]  }
0x3: {  	s3 =	rddreg [dreg:$0x2]  }
0x4: {  	s4 =	rddreg [dreg:$0x3]  }
0x5: {  	s5 =	simm.s32 $0x0;
	s6 =	srdreg.scid;
	s14 =	stileid.u32  }
0x6: {  	s15 =	simm.s32 $0x100;
	s16 =	simm.s32 $0x18700;
	s17 =	simm.s32 $0x400  }
0x7: {  	s18 =	simm.s32 $0x3;
	s19 =	simm.s32 $0x1;
	s20 =	simm.s32 $0x1CF00  }
0x8: {  	s21 =	simm.s32 $0x1DF00;
	s22 =	simm.s32 $0x4;
	s23 =	simm.s32 $0x5  }
0x9: {  	s24 =	simm.s32 $0x0;
	[smem:$0x7FF] =	sst s5;
	s6 =	sand.u32 $0x1, s6  }
0xa: {  	s8 =	sshrl.u32 s14, $0x2;
	s9 =	sshll.u32 s14, $0x8;
	p0 =	sne.s32 s14, $0x0  }
0xb: {  	p1 =	seq.s32 s14, $0x0;
	s14 =	simm.s32 $0x80;
	s7 =	ssub.s32 $0x2, s6  }
0xc: {  	s6 =	sshll.u32 s6, $0x7;
	s9 =	sand.u32 $0x300, s9;
	s10 =	smul.u32 $0xC3800, s8  }
0xd: {  	_ =	strace $0x80000047;
	s8 =	sshll.u32 s8, $0x11;
	s11 =	sshrl.u32 s7, $0x1  }
0xe: {  	s13 =	sshrl.u32 @!p0 s4, $0x3;
	s6 =	sor.u32 s6, s9;
	s12 =	ssub.s32 s7, s11  }
0xf: {  	s9 =	sadd.s32 $0x1000, s3;
	s7 =	sor.u32 s6, s10;
	s0 =	smax.u32 s12, $0x1  }
0x10: {  	s10 =	sadd.s32 $0x2000, s3;
	s11 =	sadd.s32 $0x3000, s3;
	[dreg:$0x5] =	wrdreg s0  }
.LBB2_1:
0x11: {  	s25 =	simm.s32 @!p0 $0x1  }
0x12: {  	s26 =	simm.s32 @!p0 $0x20;
	s28 =	simm.s32 @!p0 $0x10;
	s29 =	simm.s32 @!p0 $0x1C02  }
0x13: {  	[spmem:s13@s26], [sflag:s29] =	dma.strided @!p0 [hbm:s1@s28], $0x800, s25, $0x10   }
0x14: {  	s26 =	simm.s32 $0x0  }
.LBB2_2:
0x15: {  	p3 =	seq.s32 @p1 s26, $0x19;
	s25 =	simm.s32 @p1 $0x2  }
0x16: {  	p2 =	por p3, !p1;
	_ =	swait.ge @p1 [sflag:s25], $0x800  }
0x17: {  	s30 =	sadd.s32 @!p2 $0x1, s26;
	[sflag:s25] =	ssyncset.done @p1 $0x0  }
0x18: {  	s29 =	simm.s32 @!p2 $0x1;
	s31 =	simm.s32 @!p2 $0x20;
	s28 =	sshll.u32 @!p2 s30, $0x7  }
0x19: {  	s0 =	simm.s32 @!p2 $0x10;
	[sflag:s25] =	ssyncadd.s32 @p1 $0xFFFFF800;
	s25 =	sand.u32 @!p2 $0x80, s28  }
0x1a: {  	s12 =	simm.s32 @!p2 $0x1C02;
	s28 =	sshll.u32 @!p2 s30, $0xB;
	s25 =	sadd.s32 @!p2 s25, s4  }
0x1b: {  	[bflag:$0x0] =	sbarrier.arrive @p1 $0xFFFF;
	s28 =	sadd.s32 @!p2 s1, s28;
	s25 =	sshrl.u32 @!p2 s25, $0x3  }
0x1c: {  	[spmem:s25@s31], [sflag:s12] =	dma.strided @!p2 [hbm:s28@s0], $0x800, s29, $0x10   }
0x1d: {  	s12 =	sshll.u32 s26, $0x7;
	s25 =	smul.u32 $0x30E000, s26  }
0x1e: {  	s0 =	sand.u32 $0x80, s12  }
0x1f: {  	[bflag:$0x0] =	sbarrier.arrive @!p1 $0xFFFF;
	s0 =	sadd.s32 s0, s4;
	s25 =	sadd.s32 s7, s25  }
0x20: {  	[tilespmem:s16], [sflag:$0x3] =	stream.strided.gather [spmem:s0], $0x4000, s15, s14, $0x38;
	[tilespmem:$0x1EF00] =	vst v63  }
0x21: {  	s0 =	sshrl.u32 s25, $0x3  }
0x22: {  	s0 =	sadd.s32 s2, s0  }
0x23: {  	[tilespmem:s5], [sflag:$0x1] =	stream.strided.gather [hbm4b:s0+s14], $0x18700, s17, s14, $0x38;
	[tilespmem:$0x1EF00] =	vst v63  }
0x24: {  	_ =	swait.ge [sflag:s18], $0x4000  }
0x25: {  	[sflag:s18] =	ssyncset.done $0x0  }
0x26: {  	[sflag:s18] =	ssyncadd.s32 $0xFFFFC000  }
0x27: {  	_ =	swait.ge [sflag:s19], $0x18700  }
0x28: {  	p2 =	seq.s32 s26, $0x0;
	[sflag:s19] =	ssyncset.done $0x0  }
0x29: {  	s0 =	simm.s32 @!p2 $0x4;
	[sflag:s19] =	ssyncadd.s32 $0xFFFE7900  }
0x2a: {  	_ =	swait.ge @!p2 [sflag:s0], $0x1000  }
0x2b: {  	[sflag:s0] =	ssyncset.done @!p2 $0x0  }
0x2c: {  	s28 =	simm.s32 $0x18780;
	[sflag:s0] =	ssyncadd.s32 @!p2 $0xFFFFF000  }
0x2d: {  	v0 =	vld [tilespmem:s28+$0xFFFFFFE0]  }
0x2e: {  	v1 =	vld [tilespmem:s28+$0xFFFFFFF0]  }
0x2f: {  	v2 =	vld [tilespmem:s28+$0xFFFFFF80]  }
0x30: {  	v3 =	vld [tilespmem:s28+$0xFFFFFFA0]  }
0x31: {  	v4 =	vld [tilespmem:s28+$0xFFFFFFD0]  }
0x32: {  	v5 =	vld [tilespmem:s28+$0xFFFFFFB0]  }
0x33: {  	v6 =	vld [tilespmem:s28+$0xFFFFFFC0]  }
0x34: {  	v7 =	vld [tilespmem:s28+$0xFFFFFF90]  }
0x35: {  	v0 =	vld.idx.msk [tilespmem:v0+s5+$0x0], $0xffff  }
0x36: {  	v1 =	vld.idx.msk [tilespmem:v1+s5+$0x0], $0xffff  }
0x37: {  	v2 =	vld.idx.msk [tilespmem:v2+s5+$0x0], $0xffff  }
0x38: {  	v3 =	vld.idx.msk [tilespmem:v3+s5+$0x0], $0xffff  }
0x39: {  	v4 =	vld.idx.msk [tilespmem:v4+s5+$0x0], $0xffff  }
0x3a: {  	v5 =	vld.idx.msk [tilespmem:v5+s5+$0x0], $0xffff  }
0x3b: {  	s29 =	simm.s32 $0x1CF80;
	v6 =	vld.idx.msk [tilespmem:v6+s5+$0x0], $0xffff  }
0x3c: {  	v7 =	vld.idx.msk [tilespmem:v7+s5+$0x0], $0xffff;
	[tilespmem:s29+$0xFFFFFFF0] =	vst v1  }
0x3d: {  	[tilespmem:s29+$0xFFFFFF80] =	vst v2  }
0x3e: {  	[tilespmem:s29+$0xFFFFFFA0] =	vst v3  }
0x3f: {  	[tilespmem:s29+$0xFFFFFFD0] =	vst v4  }
0x40: {  	[tilespmem:s29+$0xFFFFFFC0] =	vst v6  }
0x41: {  	[tilespmem:s29+$0xFFFFFFB0] =	vst v5  }
0x42: {  	[tilespmem:s29+$0xFFFFFF90] =	vst v7  }
0x43: {  	[tilespmem:s29+$0xFFFFFFE0] =	vst v0  }
0x44: {  	v0 =	vld [tilespmem:s28+$0x70]  }
0x45: {  	v6 =	vld [tilespmem:s28+$0x10]  }
0x46: {  	v7 =	vld [tilespmem:s28+$0x20]  }
0x47: {  	v8 =	vld [tilespmem:s28+$0x60]  }
0x48: {  	v5 =	vld [tilespmem:s28+$0x40]  }
0x49: {  	v2 =	vld [tilespmem:s28+$0x50]  }
0x4a: {  	v3 =	vld [tilespmem:s28+$0x0]  }
0x4b: {  	v4 =	vld [tilespmem:s28+$0x30]  }
0x4c: {  	v1 =	vld.idx.msk [tilespmem:v0+s5+$0x0], $0xffff  }
0x4d: {  	p3 =	por !p3, !p1;
	v0 =	vld.idx.msk [tilespmem:v6+s5+$0x0], $0xffff  }
0x4e: {  	s30 =	simm.s32 @!p3 $0x1A;
	s25 =	sadd.s32 @!p1 $0x1, s26;
	v7 =	vld.idx.msk [tilespmem:v7+s5+$0x0], $0xffff  }
0x4f: {  	s31 =	simm.s32 $0x0;
	s25 =	smov.u32 @p1 s30;
	s30 =	simm.s32 $0x1CF80;
	v6 =	vld.idx.msk [tilespmem:v8+s5+$0x0], $0xffff  }
.LBB2_3:
0x50: {  	s31 =	sadd.s32 $0x2, s31;
	v5 =	vld.idx.msk [tilespmem:v5+s5+$0x0], $0xffff;
	s29 =	sadd.s32 $0x100, s29;
	s28 =	sadd.s32 $0x100, s28  }
0x51: {  	p3 =	slt.u32 s31, $0x1E;
	v2 =	vld.idx.msk [tilespmem:v2+s5+$0x0], $0xffff  }
0x52: {  	v3 =	vld.idx.msk [tilespmem:v3+s5+$0x0], $0xffff  }
0x53: {  	v4 =	vld.idx.msk [tilespmem:v4+s5+$0x0], $0xffff  }
0x54: {  	[tilespmem:s30+$0x20] =	vst v7  }
0x55: {  	[tilespmem:s30+$0x70] =	vst v1  }
0x56: {  	[tilespmem:s30+$0x60] =	vst v6  }
0x57: {  	[tilespmem:s30+$0x50] =	vst v2  }
0x58: {  	[tilespmem:s30+$0x0] =	vst v3  }
0x59: {  	[tilespmem:s30+$0x40] =	vst v5  }
0x5a: {  	[tilespmem:s30+$0x30] =	vst v4  }
0x5b: {  	[tilespmem:s30+$0x10] =	vst v0;
	s30 =	smov.u32 s29  }
0x5c: {  	v0 =	vld [tilespmem:s28+$0xFFFFFFE0]  }
0x5d: {  	v1 =	vld [tilespmem:s28+$0xFFFFFFF0]  }
0x5e: {  	v2 =	vld [tilespmem:s28+$0xFFFFFF80]  }
0x5f: {  	v3 =	vld [tilespmem:s28+$0xFFFFFFA0]  }
0x60: {  	v4 =	vld [tilespmem:s28+$0xFFFFFFD0]  }
0x61: {  	v5 =	vld [tilespmem:s28+$0xFFFFFFB0]  }
0x62: {  	v6 =	vld [tilespmem:s28+$0xFFFFFFC0]  }
0x63: {  	v7 =	vld [tilespmem:s28+$0xFFFFFF90]  }
0x64: {  	v0 =	vld.idx.msk [tilespmem:v0+s5+$0x0], $0xffff  }
0x65: {  	v1 =	vld.idx.msk [tilespmem:v1+s5+$0x0], $0xffff  }
0x66: {  	v2 =	vld.idx.msk [tilespmem:v2+s5+$0x0], $0xffff  }
0x67: {  	v3 =	vld.idx.msk [tilespmem:v3+s5+$0x0], $0xffff  }
0x68: {  	v4 =	vld.idx.msk [tilespmem:v4+s5+$0x0], $0xffff  }
0x69: {  	v5 =	vld.idx.msk [tilespmem:v5+s5+$0x0], $0xffff  }
0x6a: {  	v6 =	vld.idx.msk [tilespmem:v6+s5+$0x0], $0xffff  }
0x6b: {  	v7 =	vld.idx.msk [tilespmem:v7+s5+$0x0], $0xffff  }
0x6c: {  	[tilespmem:s29+$0xFFFFFFF0] =	vst v1  }
0x6d: {  	[tilespmem:s29+$0xFFFFFF80] =	vst v2  }
0x6e: {  	[tilespmem:s29+$0xFFFFFFA0] =	vst v3  }
0x6f: {  	[tilespmem:s29+$0xFFFFFFD0] =	vst v4  }
0x70: {  	[tilespmem:s29+$0xFFFFFFC0] =	vst v6  }
0x71: {  	[tilespmem:s29+$0xFFFFFFB0] =	vst v5  }
0x72: {  	[tilespmem:s29+$0xFFFFFF90] =	vst v7  }
0x73: {  	[tilespmem:s29+$0xFFFFFFE0] =	vst v0  }
0x74: {  	v0 =	vld [tilespmem:s28+$0x70]  }
0x75: {  	v6 =	vld [tilespmem:s28+$0x10]  }
0x76: {  	v7 =	vld [tilespmem:s28+$0x20]  }
0x77: {  	v8 =	vld [tilespmem:s28+$0x60]  }
0x78: {  	v5 =	vld [tilespmem:s28+$0x40]  }
0x79: {  	v2 =	vld [tilespmem:s28+$0x50]  }
0x7a: {  	v3 =	vld [tilespmem:s28+$0x0]  }
.Ltmp0:
0x7b: {  	v4 =	vld [tilespmem:s28+$0x30];
	(pc) =	sbr.rel @p3 .LBB2_3-.Ltmp0, $4  }
0x7c: {  	v1 =	vld.idx.msk [tilespmem:v0+s5+$0x0], $0xffff  }
0x7d: {  	v0 =	vld.idx.msk [tilespmem:v6+s5+$0x0], $0xffff  }
0x7e: {  	v7 =	vld.idx.msk [tilespmem:v7+s5+$0x0], $0xffff  }
0x7f: {  	v6 =	vld.idx.msk [tilespmem:v8+s5+$0x0], $0xffff  }
0x80: {  	_ =	sdelay $0x3  }
0x81: {  	v5 =	vld.idx.msk [tilespmem:v5+s5+$0x0], $0xffff  }
0x82: {  	v2 =	vld.idx.msk [tilespmem:v2+s5+$0x0], $0xffff  }
0x83: {  	v3 =	vld.idx.msk [tilespmem:v3+s5+$0x0], $0xffff  }
0x84: {  	v4 =	vld.idx.msk [tilespmem:v4+s5+$0x0], $0xffff;
	[tilespmem:s30+$0x70] =	vst v1  }
0x85: {  	[tilespmem:s30+$0x10] =	vst v0  }
0x86: {  	[tilespmem:s30+$0x20] =	vst v7  }
0x87: {  	s0 =	sshll.u32 s26, $0x13;
	[tilespmem:s30+$0x60] =	vst v6  }
0x88: {  	s0 =	sor.u32 s0, s8;
	[tilespmem:s30+$0x50] =	vst v2  }
0x89: {  	s0 =	sor.u32 s6, s0;
	[tilespmem:s30+$0x0] =	vst v3  }
0x8a: {  	s26 =	sshrl.u32 s0, $0x3;
	[tilespmem:s30+$0x40] =	vst v5  }
0x8b: {  	s0 =	sadd.s32 s3, s26;
	[tilespmem:s30+$0x30] =	vst v4  }
0x8c: {  	[hbm4b:s0+s14] =	stream.strided.scatter [tilespmem:s20], [sflag:$0x4], $0x1000, s17, s14, $0x38;
	[tilespmem:$0x1EF00] =	vst v63  }
0x8d: {  	s0 =	simm.s32 @!p2 $0x5  }
0x8e: {  	_ =	swait.ge @!p2 [sflag:s0], $0x1000  }
0x8f: {  	[sflag:s0] =	ssyncset.done @!p2 $0x0  }
0x90: {  	s28 =	simm.s32 $0x197F0;
	[sflag:s0] =	ssyncadd.s32 @!p2 $0xFFFFF000  }
0x91: {  	v0 =	vld [tilespmem:s28+$0xFFFFFF70]  }
0x92: {  	v1 =	vld [tilespmem:s28+$0xFFFFFF80]  }
0x93: {  	v2 =	vld [tilespmem:s28+$0xFFFFFF10]  }
0x94: {  	v3 =	vld [tilespmem:s28+$0xFFFFFF30]  }
0x95: {  	v4 =	vld [tilespmem:s28+$0xFFFFFF60]  }
0x96: {  	v5 =	vld [tilespmem:s28+$0xFFFFFF40]  }
0x97: {  	v6 =	vld [tilespmem:s28+$0xFFFFFF50]  }
0x98: {  	v7 =	vld [tilespmem:s28+$0xFFFFFF20]  }
0x99: {  	v0 =	vld.idx.msk [tilespmem:v0+s5+$0x0], $0xffff  }
0x9a: {  	v1 =	vld.idx.msk [tilespmem:v1+s5+$0x0], $0xffff  }
0x9b: {  	v2 =	vld.idx.msk [tilespmem:v2+s5+$0x0], $0xffff  }
0x9c: {  	v3 =	vld.idx.msk [tilespmem:v3+s5+$0x0], $0xffff  }
0x9d: {  	v4 =	vld.idx.msk [tilespmem:v4+s5+$0x0], $0xffff  }
0x9e: {  	v5 =	vld.idx.msk [tilespmem:v5+s5+$0x0], $0xffff  }
0x9f: {  	s29 =	simm.s32 $0x1DF80;
	v6 =	vld.idx.msk [tilespmem:v6+s5+$0x0], $0xffff  }
0xa0: {  	v7 =	vld.idx.msk [tilespmem:v7+s5+$0x0], $0xffff;
	[tilespmem:s29+$0xFFFFFFF0] =	vst v1  }
0xa1: {  	[tilespmem:s29+$0xFFFFFF80] =	vst v2  }
0xa2: {  	[tilespmem:s29+$0xFFFFFFA0] =	vst v3  }
0xa3: {  	[tilespmem:s29+$0xFFFFFFD0] =	vst v4  }
0xa4: {  	[tilespmem:s29+$0xFFFFFFC0] =	vst v6  }
0xa5: {  	[tilespmem:s29+$0xFFFFFFB0] =	vst v5  }
0xa6: {  	[tilespmem:s29+$0xFFFFFF90] =	vst v7  }
0xa7: {  	[tilespmem:s29+$0xFFFFFFE0] =	vst v0  }
0xa8: {  	v0 =	vld [tilespmem:s28+$0x0]  }
0xa9: {  	v6 =	vld [tilespmem:s28+$0xFFFFFFA0]  }
0xaa: {  	v7 =	vld [tilespmem:s28+$0xFFFFFFB0]  }
0xab: {  	v8 =	vld [tilespmem:s28+$0xFFFFFFF0]  }
0xac: {  	v5 =	vld [tilespmem:s28+$0xFFFFFFD0]  }
0xad: {  	v2 =	vld [tilespmem:s28+$0xFFFFFFE0]  }
0xae: {  	v3 =	vld [tilespmem:s28+$0xFFFFFF90]  }
0xaf: {  	v4 =	vld [tilespmem:s28+$0xFFFFFFC0]  }
0xb0: {  	v1 =	vld.idx.msk [tilespmem:v0+s5+$0x0], $0xffff  }
0xb1: {  	v0 =	vld.idx.msk [tilespmem:v6+s5+$0x0], $0xffff  }
0xb2: {  	v7 =	vld.idx.msk [tilespmem:v7+s5+$0x0], $0xffff  }
0xb3: {  	s31 =	simm.s32 $0x0;
	s30 =	simm.s32 $0x1DF80;
	v6 =	vld.idx.msk [tilespmem:v8+s5+$0x0], $0xffff  }
.LBB2_5:
0xb4: {  	s31 =	sadd.s32 $0x2, s31;
	v5 =	vld.idx.msk [tilespmem:v5+s5+$0x0], $0xffff;
	s28 =	sadd.s32 $0x100, s28;
	s29 =	sadd.s32 $0x100, s29  }
0xb5: {  	p2 =	slt.u32 s31, $0x1E;
	v2 =	vld.idx.msk [tilespmem:v2+s5+$0x0], $0xffff  }
0xb6: {  	v3 =	vld.idx.msk [tilespmem:v3+s5+$0x0], $0xffff  }
0xb7: {  	v4 =	vld.idx.msk [tilespmem:v4+s5+$0x0], $0xffff  }
0xb8: {  	[tilespmem:s30+$0x20] =	vst v7  }
0xb9: {  	[tilespmem:s30+$0x70] =	vst v1  }
0xba: {  	[tilespmem:s30+$0x60] =	vst v6  }
0xbb: {  	[tilespmem:s30+$0x50] =	vst v2  }
0xbc: {  	[tilespmem:s30+$0x0] =	vst v3  }
0xbd: {  	[tilespmem:s30+$0x40] =	vst v5  }
0xbe: {  	[tilespmem:s30+$0x30] =	vst v4  }
0xbf: {  	[tilespmem:s30+$0x10] =	vst v0;
	s30 =	smov.u32 s29  }
0xc0: {  	v0 =	vld [tilespmem:s28+$0xFFFFFF70]  }
0xc1: {  	v1 =	vld [tilespmem:s28+$0xFFFFFF80]  }
0xc2: {  	v2 =	vld [tilespmem:s28+$0xFFFFFF10]  }
0xc3: {  	v3 =	vld [tilespmem:s28+$0xFFFFFF30]  }
0xc4: {  	v4 =	vld [tilespmem:s28+$0xFFFFFF60]  }
0xc5: {  	v5 =	vld [tilespmem:s28+$0xFFFFFF40]  }
0xc6: {  	v6 =	vld [tilespmem:s28+$0xFFFFFF50]  }
0xc7: {  	v7 =	vld [tilespmem:s28+$0xFFFFFF20]  }
0xc8: {  	v0 =	vld.idx.msk [tilespmem:v0+s5+$0x0], $0xffff  }
0xc9: {  	v1 =	vld.idx.msk [tilespmem:v1+s5+$0x0], $0xffff  }
0xca: {  	v2 =	vld.idx.msk [tilespmem:v2+s5+$0x0], $0xffff  }
0xcb: {  	v3 =	vld.idx.msk [tilespmem:v3+s5+$0x0], $0xffff  }
0xcc: {  	v4 =	vld.idx.msk [tilespmem:v4+s5+$0x0], $0xffff  }
0xcd: {  	v5 =	vld.idx.msk [tilespmem:v5+s5+$0x0], $0xffff  }
0xce: {  	v6 =	vld.idx.msk [tilespmem:v6+s5+$0x0], $0xffff  }
0xcf: {  	v7 =	vld.idx.msk [tilespmem:v7+s5+$0x0], $0xffff  }
0xd0: {  	[tilespmem:s29+$0xFFFFFFF0] =	vst v1  }
0xd1: {  	[tilespmem:s29+$0xFFFFFF80] =	vst v2  }
0xd2: {  	[tilespmem:s29+$0xFFFFFFA0] =	vst v3  }
0xd3: {  	[tilespmem:s29+$0xFFFFFFD0] =	vst v4  }
0xd4: {  	[tilespmem:s29+$0xFFFFFFC0] =	vst v6  }
0xd5: {  	[tilespmem:s29+$0xFFFFFFB0] =	vst v5  }
0xd6: {  	[tilespmem:s29+$0xFFFFFF90] =	vst v7  }
0xd7: {  	[tilespmem:s29+$0xFFFFFFE0] =	vst v0  }
0xd8: {  	v0 =	vld [tilespmem:s28+$0x0]  }
0xd9: {  	v6 =	vld [tilespmem:s28+$0xFFFFFFA0]  }
0xda: {  	v7 =	vld [tilespmem:s28+$0xFFFFFFB0]  }
0xdb: {  	v8 =	vld [tilespmem:s28+$0xFFFFFFF0]  }
0xdc: {  	v5 =	vld [tilespmem:s28+$0xFFFFFFD0]  }
0xdd: {  	v2 =	vld [tilespmem:s28+$0xFFFFFFE0]  }
0xde: {  	v3 =	vld [tilespmem:s28+$0xFFFFFF90]  }
.Ltmp1:
0xdf: {  	v4 =	vld [tilespmem:s28+$0xFFFFFFC0];
	(pc) =	sbr.rel @p2 .LBB2_5-.Ltmp1, $4  }
0xe0: {  	v1 =	vld.idx.msk [tilespmem:v0+s5+$0x0], $0xffff  }
0xe1: {  	v0 =	vld.idx.msk [tilespmem:v6+s5+$0x0], $0xffff  }
0xe2: {  	v7 =	vld.idx.msk [tilespmem:v7+s5+$0x0], $0xffff  }
0xe3: {  	v6 =	vld.idx.msk [tilespmem:v8+s5+$0x0], $0xffff  }
0xe4: {  	_ =	sdelay $0x3  }
0xe5: {  	v5 =	vld.idx.msk [tilespmem:v5+s5+$0x0], $0xffff  }
0xe6: {  	v2 =	vld.idx.msk [tilespmem:v2+s5+$0x0], $0xffff  }
0xe7: {  	v3 =	vld.idx.msk [tilespmem:v3+s5+$0x0], $0xffff  }
0xe8: {  	v4 =	vld.idx.msk [tilespmem:v4+s5+$0x0], $0xffff;
	[tilespmem:s30+$0x70] =	vst v1  }
0xe9: {  	[tilespmem:s30+$0x10] =	vst v0  }
0xea: {  	[tilespmem:s30+$0x20] =	vst v7  }
0xeb: {  	[tilespmem:s30+$0x60] =	vst v6  }
0xec: {  	[tilespmem:s30+$0x50] =	vst v2  }
0xed: {  	[tilespmem:s30+$0x0] =	vst v3  }
0xee: {  	[tilespmem:s30+$0x40] =	vst v5  }
0xef: {  	s0 =	sadd.s32 s26, s9;
	[tilespmem:s30+$0x30] =	vst v4  }
0xf0: {  	[hbm4b:s0+s14] =	stream.strided.scatter [tilespmem:s21], [sflag:$0x5], $0x1000, s17, s14, $0x38;
	[tilespmem:$0x1EF00] =	vst v63  }
0xf1: {  	_ =	swait.ge [sflag:s22], $0x1000  }
0xf2: {  	[sflag:s22] =	ssyncset.done $0x0  }
0xf3: {  	s28 =	simm.s32 $0x1A7F0;
	[sflag:s22] =	ssyncadd.s32 $0xFFFFF000  }
0xf4: {  	v0 =	vld [tilespmem:s28+$0xFFFFFF70]  }
0xf5: {  	v1 =	vld [tilespmem:s28+$0xFFFFFF80]  }
0xf6: {  	v2 =	vld [tilespmem:s28+$0xFFFFFF10]  }
0xf7: {  	v3 =	vld [tilespmem:s28+$0xFFFFFF30]  }
0xf8: {  	v4 =	vld [tilespmem:s28+$0xFFFFFF60]  }
0xf9: {  	v5 =	vld [tilespmem:s28+$0xFFFFFF40]  }
0xfa: {  	v6 =	vld [tilespmem:s28+$0xFFFFFF50]  }
0xfb: {  	v7 =	vld [tilespmem:s28+$0xFFFFFF20]  }
0xfc: {  	v0 =	vld.idx.msk [tilespmem:v0+s5+$0x0], $0xffff  }
0xfd: {  	v1 =	vld.idx.msk [tilespmem:v1+s5+$0x0], $0xffff  }
0xfe: {  	v2 =	vld.idx.msk [tilespmem:v2+s5+$0x0], $0xffff  }
0xff: {  	v3 =	vld.idx.msk [tilespmem:v3+s5+$0x0], $0xffff  }
0x100: {  	v4 =	vld.idx.msk [tilespmem:v4+s5+$0x0], $0xffff  }
0x101: {  	v5 =	vld.idx.msk [tilespmem:v5+s5+$0x0], $0xffff  }
0x102: {  	s29 =	simm.s32 $0x1CF80;
	v6 =	vld.idx.msk [tilespmem:v6+s5+$0x0], $0xffff  }
0x103: {  	v7 =	vld.idx.msk [tilespmem:v7+s5+$0x0], $0xffff;
	[tilespmem:s29+$0xFFFFFFF0] =	vst v1  }
0x104: {  	[tilespmem:s29+$0xFFFFFF80] =	vst v2  }
0x105: {  	[tilespmem:s29+$0xFFFFFFA0] =	vst v3  }
0x106: {  	[tilespmem:s29+$0xFFFFFFD0] =	vst v4  }
0x107: {  	[tilespmem:s29+$0xFFFFFFC0] =	vst v6  }
0x108: {  	[tilespmem:s29+$0xFFFFFFB0] =	vst v5  }
0x109: {  	[tilespmem:s29+$0xFFFFFF90] =	vst v7  }
0x10a: {  	[tilespmem:s29+$0xFFFFFFE0] =	vst v0  }
0x10b: {  	v0 =	vld [tilespmem:s28+$0x0]  }
0x10c: {  	v6 =	vld [tilespmem:s28+$0xFFFFFFA0]  }
0x10d: {  	v7 =	vld [tilespmem:s28+$0xFFFFFFB0]  }
0x10e: {  	v8 =	vld [tilespmem:s28+$0xFFFFFFF0]  }
0x10f: {  	v5 =	vld [tilespmem:s28+$0xFFFFFFD0]  }
0x110: {  	v2 =	vld [tilespmem:s28+$0xFFFFFFE0]  }
0x111: {  	v3 =	vld [tilespmem:s28+$0xFFFFFF90]  }
0x112: {  	v4 =	vld [tilespmem:s28+$0xFFFFFFC0]  }
0x113: {  	v1 =	vld.idx.msk [tilespmem:v0+s5+$0x0], $0xffff  }
0x114: {  	v0 =	vld.idx.msk [tilespmem:v6+s5+$0x0], $0xffff  }
0x115: {  	v7 =	vld.idx.msk [tilespmem:v7+s5+$0x0], $0xffff  }
0x116: {  	s31 =	simm.s32 $0x0;
	s30 =	simm.s32 $0x1CF80;
	v6 =	vld.idx.msk [tilespmem:v8+s5+$0x0], $0xffff  }
.LBB2_7:
0x117: {  	s31 =	sadd.s32 $0x2, s31;
	v5 =	vld.idx.msk [tilespmem:v5+s5+$0x0], $0xffff;
	s28 =	sadd.s32 $0x100, s28;
	s29 =	sadd.s32 $0x100, s29  }
0x118: {  	p2 =	slt.u32 s31, $0x1E;
	v2 =	vld.idx.msk [tilespmem:v2+s5+$0x0], $0xffff  }
0x119: {  	v3 =	vld.idx.msk [tilespmem:v3+s5+$0x0], $0xffff  }
0x11a: {  	v4 =	vld.idx.msk [tilespmem:v4+s5+$0x0], $0xffff  }
0x11b: {  	[tilespmem:s30+$0x20] =	vst v7  }
0x11c: {  	[tilespmem:s30+$0x70] =	vst v1  }
0x11d: {  	[tilespmem:s30+$0x60] =	vst v6  }
0x11e: {  	[tilespmem:s30+$0x50] =	vst v2  }
0x11f: {  	[tilespmem:s30+$0x0] =	vst v3  }
0x120: {  	[tilespmem:s30+$0x40] =	vst v5  }
0x121: {  	[tilespmem:s30+$0x30] =	vst v4  }
0x122: {  	[tilespmem:s30+$0x10] =	vst v0;
	s30 =	smov.u32 s29  }
0x123: {  	v0 =	vld [tilespmem:s28+$0xFFFFFF70]  }
0x124: {  	v1 =	vld [tilespmem:s28+$0xFFFFFF80]  }
0x125: {  	v2 =	vld [tilespmem:s28+$0xFFFFFF10]  }
0x126: {  	v3 =	vld [tilespmem:s28+$0xFFFFFF30]  }
0x127: {  	v4 =	vld [tilespmem:s28+$0xFFFFFF60]  }
0x128: {  	v5 =	vld [tilespmem:s28+$0xFFFFFF40]  }
0x129: {  	v6 =	vld [tilespmem:s28+$0xFFFFFF50]  }
0x12a: {  	v7 =	vld [tilespmem:s28+$0xFFFFFF20]  }
0x12b: {  	v0 =	vld.idx.msk [tilespmem:v0+s5+$0x0], $0xffff  }
0x12c: {  	v1 =	vld.idx.msk [tilespmem:v1+s5+$0x0], $0xffff  }
0x12d: {  	v2 =	vld.idx.msk [tilespmem:v2+s5+$0x0], $0xffff  }
0x12e: {  	v3 =	vld.idx.msk [tilespmem:v3+s5+$0x0], $0xffff  }
0x12f: {  	v4 =	vld.idx.msk [tilespmem:v4+s5+$0x0], $0xffff  }
0x130: {  	v5 =	vld.idx.msk [tilespmem:v5+s5+$0x0], $0xffff  }
0x131: {  	v6 =	vld.idx.msk [tilespmem:v6+s5+$0x0], $0xffff  }
0x132: {  	v7 =	vld.idx.msk [tilespmem:v7+s5+$0x0], $0xffff  }
0x133: {  	[tilespmem:s29+$0xFFFFFFF0] =	vst v1  }
0x134: {  	[tilespmem:s29+$0xFFFFFF80] =	vst v2  }
0x135: {  	[tilespmem:s29+$0xFFFFFFA0] =	vst v3  }
0x136: {  	[tilespmem:s29+$0xFFFFFFD0] =	vst v4  }
0x137: {  	[tilespmem:s29+$0xFFFFFFC0] =	vst v6  }
0x138: {  	[tilespmem:s29+$0xFFFFFFB0] =	vst v5  }
0x139: {  	[tilespmem:s29+$0xFFFFFF90] =	vst v7  }
0x13a: {  	[tilespmem:s29+$0xFFFFFFE0] =	vst v0  }
0x13b: {  	v0 =	vld [tilespmem:s28+$0x0]  }
0x13c: {  	v6 =	vld [tilespmem:s28+$0xFFFFFFA0]  }
0x13d: {  	v7 =	vld [tilespmem:s28+$0xFFFFFFB0]  }
0x13e: {  	v8 =	vld [tilespmem:s28+$0xFFFFFFF0]  }
0x13f: {  	v5 =	vld [tilespmem:s28+$0xFFFFFFD0]  }
0x140: {  	v2 =	vld [tilespmem:s28+$0xFFFFFFE0]  }
0x141: {  	v3 =	vld [tilespmem:s28+$0xFFFFFF90]  }
.Ltmp2:
0x142: {  	v4 =	vld [tilespmem:s28+$0xFFFFFFC0];
	(pc) =	sbr.rel @p2 .LBB2_7-.Ltmp2, $4  }
0x143: {  	v1 =	vld.idx.msk [tilespmem:v0+s5+$0x0], $0xffff  }
0x144: {  	v0 =	vld.idx.msk [tilespmem:v6+s5+$0x0], $0xffff  }
0x145: {  	v7 =	vld.idx.msk [tilespmem:v7+s5+$0x0], $0xffff  }
0x146: {  	v6 =	vld.idx.msk [tilespmem:v8+s5+$0x0], $0xffff  }
0x147: {  	_ =	sdelay $0x3  }
0x148: {  	v5 =	vld.idx.msk [tilespmem:v5+s5+$0x0], $0xffff  }
0x149: {  	v2 =	vld.idx.msk [tilespmem:v2+s5+$0x0], $0xffff  }
0x14a: {  	v3 =	vld.idx.msk [tilespmem:v3+s5+$0x0], $0xffff  }
0x14b: {  	v4 =	vld.idx.msk [tilespmem:v4+s5+$0x0], $0xffff;
	[tilespmem:s30+$0x70] =	vst v1  }
0x14c: {  	[tilespmem:s30+$0x10] =	vst v0  }
0x14d: {  	[tilespmem:s30+$0x20] =	vst v7  }
0x14e: {  	[tilespmem:s30+$0x60] =	vst v6  }
0x14f: {  	[tilespmem:s30+$0x50] =	vst v2  }
0x150: {  	[tilespmem:s30+$0x0] =	vst v3  }
0x151: {  	[tilespmem:s30+$0x40] =	vst v5  }
0x152: {  	s0 =	sadd.s32 s26, s10;
	[tilespmem:s30+$0x30] =	vst v4  }
0x153: {  	[hbm4b:s0+s14] =	stream.strided.scatter [tilespmem:s20], [sflag:$0x4], $0x1000, s17, s14, $0x38;
	[tilespmem:$0x1EF00] =	vst v63  }
0x154: {  	_ =	swait.ge [sflag:s23], $0x1000  }
0x155: {  	[sflag:s23] =	ssyncset.done $0x0  }
0x156: {  	s28 =	simm.s32 $0x1B7F0;
	[sflag:s23] =	ssyncadd.s32 $0xFFFFF000  }
0x157: {  	v0 =	vld [tilespmem:s28+$0xFFFFFF70]  }
0x158: {  	v1 =	vld [tilespmem:s28+$0xFFFFFF80]  }
0x159: {  	v2 =	vld [tilespmem:s28+$0xFFFFFF10]  }
0x15a: {  	v3 =	vld [tilespmem:s28+$0xFFFFFF30]  }
0x15b: {  	v4 =	vld [tilespmem:s28+$0xFFFFFF60]  }
0x15c: {  	v5 =	vld [tilespmem:s28+$0xFFFFFF40]  }
0x15d: {  	v6 =	vld [tilespmem:s28+$0xFFFFFF50]  }
0x15e: {  	v7 =	vld [tilespmem:s28+$0xFFFFFF20]  }
0x15f: {  	v0 =	vld.idx.msk [tilespmem:v0+s5+$0x0], $0xffff  }
0x160: {  	v1 =	vld.idx.msk [tilespmem:v1+s5+$0x0], $0xffff  }
0x161: {  	v2 =	vld.idx.msk [tilespmem:v2+s5+$0x0], $0xffff  }
0x162: {  	v3 =	vld.idx.msk [tilespmem:v3+s5+$0x0], $0xffff  }
0x163: {  	v4 =	vld.idx.msk [tilespmem:v4+s5+$0x0], $0xffff  }
0x164: {  	v5 =	vld.idx.msk [tilespmem:v5+s5+$0x0], $0xffff  }
0x165: {  	s29 =	simm.s32 $0x1DF80;
	v6 =	vld.idx.msk [tilespmem:v6+s5+$0x0], $0xffff  }
0x166: {  	v7 =	vld.idx.msk [tilespmem:v7+s5+$0x0], $0xffff;
	[tilespmem:s29+$0xFFFFFFF0] =	vst v1  }
0x167: {  	[tilespmem:s29+$0xFFFFFF80] =	vst v2  }
0x168: {  	[tilespmem:s29+$0xFFFFFFA0] =	vst v3  }
0x169: {  	[tilespmem:s29+$0xFFFFFFD0] =	vst v4  }
0x16a: {  	[tilespmem:s29+$0xFFFFFFC0] =	vst v6  }
0x16b: {  	[tilespmem:s29+$0xFFFFFFB0] =	vst v5  }
0x16c: {  	[tilespmem:s29+$0xFFFFFF90] =	vst v7  }
0x16d: {  	[tilespmem:s29+$0xFFFFFFE0] =	vst v0  }
0x16e: {  	v0 =	vld [tilespmem:s28+$0x0]  }
0x16f: {  	v6 =	vld [tilespmem:s28+$0xFFFFFFA0]  }
0x170: {  	v7 =	vld [tilespmem:s28+$0xFFFFFFB0]  }
0x171: {  	v8 =	vld [tilespmem:s28+$0xFFFFFFF0]  }
0x172: {  	v5 =	vld [tilespmem:s28+$0xFFFFFFD0]  }
0x173: {  	v2 =	vld [tilespmem:s28+$0xFFFFFFE0]  }
0x174: {  	v3 =	vld [tilespmem:s28+$0xFFFFFF90]  }
0x175: {  	v4 =	vld [tilespmem:s28+$0xFFFFFFC0]  }
0x176: {  	v1 =	vld.idx.msk [tilespmem:v0+s5+$0x0], $0xffff  }
0x177: {  	v0 =	vld.idx.msk [tilespmem:v6+s5+$0x0], $0xffff  }
0x178: {  	v7 =	vld.idx.msk [tilespmem:v7+s5+$0x0], $0xffff  }
0x179: {  	s31 =	simm.s32 $0x0;
	s30 =	simm.s32 $0x1DF80;
	v6 =	vld.idx.msk [tilespmem:v8+s5+$0x0], $0xffff  }
.LBB2_9:
0x17a: {  	s31 =	sadd.s32 $0x2, s31;
	v5 =	vld.idx.msk [tilespmem:v5+s5+$0x0], $0xffff;
	s28 =	sadd.s32 $0x100, s28;
	s29 =	sadd.s32 $0x100, s29  }
0x17b: {  	p2 =	slt.u32 s31, $0x1E;
	v2 =	vld.idx.msk [tilespmem:v2+s5+$0x0], $0xffff  }
0x17c: {  	v3 =	vld.idx.msk [tilespmem:v3+s5+$0x0], $0xffff  }
0x17d: {  	v4 =	vld.idx.msk [tilespmem:v4+s5+$0x0], $0xffff  }
0x17e: {  	[tilespmem:s30+$0x20] =	vst v7  }
0x17f: {  	[tilespmem:s30+$0x70] =	vst v1  }
0x180: {  	[tilespmem:s30+$0x60] =	vst v6  }
0x181: {  	[tilespmem:s30+$0x50] =	vst v2  }
0x182: {  	[tilespmem:s30+$0x0] =	vst v3  }
0x183: {  	[tilespmem:s30+$0x40] =	vst v5  }
0x184: {  	[tilespmem:s30+$0x30] =	vst v4  }
0x185: {  	[tilespmem:s30+$0x10] =	vst v0;
	s30 =	smov.u32 s29  }
0x186: {  	v0 =	vld [tilespmem:s28+$0xFFFFFF70]  }
0x187: {  	v1 =	vld [tilespmem:s28+$0xFFFFFF80]  }
0x188: {  	v2 =	vld [tilespmem:s28+$0xFFFFFF10]  }
0x189: {  	v3 =	vld [tilespmem:s28+$0xFFFFFF30]  }
0x18a: {  	v4 =	vld [tilespmem:s28+$0xFFFFFF60]  }
0x18b: {  	v5 =	vld [tilespmem:s28+$0xFFFFFF40]  }
0x18c: {  	v6 =	vld [tilespmem:s28+$0xFFFFFF50]  }
0x18d: {  	v7 =	vld [tilespmem:s28+$0xFFFFFF20]  }
0x18e: {  	v0 =	vld.idx.msk [tilespmem:v0+s5+$0x0], $0xffff  }
0x18f: {  	v1 =	vld.idx.msk [tilespmem:v1+s5+$0x0], $0xffff  }
0x190: {  	v2 =	vld.idx.msk [tilespmem:v2+s5+$0x0], $0xffff  }
0x191: {  	v3 =	vld.idx.msk [tilespmem:v3+s5+$0x0], $0xffff  }
0x192: {  	v4 =	vld.idx.msk [tilespmem:v4+s5+$0x0], $0xffff  }
0x193: {  	v5 =	vld.idx.msk [tilespmem:v5+s5+$0x0], $0xffff  }
0x194: {  	v6 =	vld.idx.msk [tilespmem:v6+s5+$0x0], $0xffff  }
0x195: {  	v7 =	vld.idx.msk [tilespmem:v7+s5+$0x0], $0xffff  }
0x196: {  	[tilespmem:s29+$0xFFFFFFF0] =	vst v1  }
0x197: {  	[tilespmem:s29+$0xFFFFFF80] =	vst v2  }
0x198: {  	[tilespmem:s29+$0xFFFFFFA0] =	vst v3  }
0x199: {  	[tilespmem:s29+$0xFFFFFFD0] =	vst v4  }
0x19a: {  	[tilespmem:s29+$0xFFFFFFC0] =	vst v6  }
0x19b: {  	[tilespmem:s29+$0xFFFFFFB0] =	vst v5  }
0x19c: {  	[tilespmem:s29+$0xFFFFFF90] =	vst v7  }
0x19d: {  	[tilespmem:s29+$0xFFFFFFE0] =	vst v0  }
0x19e: {  	v0 =	vld [tilespmem:s28+$0x0]  }
0x19f: {  	v6 =	vld [tilespmem:s28+$0xFFFFFFA0]  }
0x1a0: {  	v7 =	vld [tilespmem:s28+$0xFFFFFFB0]  }
0x1a1: {  	v8 =	vld [tilespmem:s28+$0xFFFFFFF0]  }
0x1a2: {  	v5 =	vld [tilespmem:s28+$0xFFFFFFD0]  }
0x1a3: {  	v2 =	vld [tilespmem:s28+$0xFFFFFFE0]  }
0x1a4: {  	v3 =	vld [tilespmem:s28+$0xFFFFFF90]  }
.Ltmp3:
0x1a5: {  	v4 =	vld [tilespmem:s28+$0xFFFFFFC0];
	(pc) =	sbr.rel @p2 .LBB2_9-.Ltmp3, $4  }
0x1a6: {  	v1 =	vld.idx.msk [tilespmem:v0+s5+$0x0], $0xffff  }
0x1a7: {  	v0 =	vld.idx.msk [tilespmem:v6+s5+$0x0], $0xffff  }
0x1a8: {  	v7 =	vld.idx.msk [tilespmem:v7+s5+$0x0], $0xffff  }
0x1a9: {  	v6 =	vld.idx.msk [tilespmem:v8+s5+$0x0], $0xffff  }
0x1aa: {  	_ =	sdelay $0x3  }
0x1ab: {  	v5 =	vld.idx.msk [tilespmem:v5+s5+$0x0], $0xffff  }
0x1ac: {  	v2 =	vld.idx.msk [tilespmem:v2+s5+$0x0], $0xffff  }
0x1ad: {  	v3 =	vld.idx.msk [tilespmem:v3+s5+$0x0], $0xffff  }
0x1ae: {  	v4 =	vld.idx.msk [tilespmem:v4+s5+$0x0], $0xffff;
	[tilespmem:s30+$0x70] =	vst v1  }
0x1af: {  	[tilespmem:s30+$0x10] =	vst v0  }
0x1b0: {  	[tilespmem:s30+$0x20] =	vst v7  }
0x1b1: {  	p2 =	slt.u32 s25, $0x1A;
	[tilespmem:s30+$0x60] =	vst v6  }
.Ltmp4:
0x1b2: {  	[tilespmem:s30+$0x50] =	vst v2;
	(pc) =	sbr.rel @p2 .LBB2_2-.Ltmp4, $4  }
0x1b3: {  	[tilespmem:s30+$0x0] =	vst v3  }
0x1b4: {  	[tilespmem:s30+$0x40] =	vst v5  }
0x1b5: {  	s0 =	sadd.s32 s26, s11;
	s26 =	smov.u32 s25;
	[tilespmem:s30+$0x30] =	vst v4  }
0x1b6: {  	[hbm4b:s0+s14] =	stream.strided.scatter [tilespmem:s21], [sflag:$0x5], $0x1000, s17, s14, $0x38;
	[tilespmem:$0x1EF00] =	vst v63  }
0x1b7: {  	_ =	swait.ge [sflag:s22], $0x1000  }
0x1b8: {  	[sflag:s22] =	ssyncset.done $0x0  }
0x1b9: {  	[sflag:s22] =	ssyncadd.s32 $0xFFFFF000  }
0x1ba: {  	_ =	swait.ge [sflag:s23], $0x1000  }
0x1bb: {  	s24 =	sadd.s32 $0x1, s24;
	s0 =	rddreg [dreg:$0x5]  }
0x1bc: {  	p2 =	sne.s32 s24, s0  }
.Ltmp5:
0x1bd: {  	_ = 	snop;
	(pc) =	sbr.rel @p2 .LBB2_1-.Ltmp5, $3  }
0x1be: {  	_ =	sdelay $0x1  }
0x1bf: {  	[sflag:s23] =	ssyncset.done $0x0  }
0x1c0: {  	[sflag:s23] =	ssyncadd.s32 $0xFFFFF000  }
0x1c1: {  	_ =	sfence.sel $0x180000  }
0x1c2: {  	[bflag:$0x0] =	sbarrier.arrive $0xFFFF  }
0x1c3: {  	_ =	strace $0x90000047  }
0x1c4: {  	[bflag:$0x2] =	sbarrier.arrive $0xFFFF  }
0x1c5: {  	s0 =	rddreg [dreg:$0x4]  }
0x1c6: {  	s0 =	sadd.s32 @!p0 $0x100000, s0  }
0x1c7: {  	[sflag:s0] =	ssyncadd.tile.s32 @!p0 $0x1;
	_ =	shalt  }
.Lfunc_end2:
_tile_overlayer_lowered:
.L_overlay_start_2:
0x1c8: {  	(tag) =	ssettag $0x2  }
0x1c9: {  	s0 =	rddreg [dreg:$0x0];
	s2 =	stileid.u32  }
0x1ca: {  	s1 =	rddreg [dreg:$0x1];
	p0 =	sne.s32 s2, $0x0  }
0x1cb: {  	s3 =	rddreg [dreg:$0x2];
	[bflag:$0x3] =	sbarrier.arrive $0xFFFF;
	s2 =	simm.s32 @!p0 $0x1C06  }
0x1cc: {  	[timem:s3], [sflag:s2] =	dma.local @!p0 [hbm:s0], s1  }
0x1cd: {  	s0 =	simm.s32 @!p0 $0x6  }
0x1ce: {  	_ =	swait.ge @!p0 [sflag:s0], s1  }
0x1cf: {  	s1 =	ssub.s32 @!p0 $0x0, s1;
	[sflag:s0] =	ssyncset.done @!p0 $0x0  }
0x1d0: {  	[sflag:s0] =	ssyncadd.s32 @!p0 s1  }
0x1d1: {  	[bflag:$0x3] =	sbarrier.arrive $0xFFFF  }
0x1d2: {  	_ =	shalt  }

</sc_bundles>
